<compile_context>
chip_gen: v7x
topology: tpu7x:2x2x1
jax: 0.10.2.dev20260603
libtpu: 0.0.44.dev20260713+nightly
codegen_flags: <defaults>
</compile_context>

<pallas_src>
import functools

import jax
import jax.numpy as jnp
from jax import lax
from jax.experimental import pallas as pl
from jax.experimental.pallas import tpu as pltpu
from jax.experimental.pallas import tpu_sc as plsc

N_E = 8192
E_DIM = 256
BETA = 0.25
ENT_RATIO = 0.1
TEMP = 0.01

N_TOK = 4096
BM = 256
KC = 2048
N_KC = N_E // KC
GRID = N_TOK // BM
BLOCKS_PER_BATCH = 1024 // BM

_PREC = lax.Precision.DEFAULT


def _vq_main_body(qids_ref, zt_ref, w_ref,
                  zn_ref, idx_ref, vq_ref, com_ref, ent_ref, dcr_ref,
                  e_s, emb_s, ne2_s, colacc, ref0, eqacc, sacc):
    pb = pl.program_id(0)
    b = pl.program_id(1)

    @pl.when((pb == 0) & (b == 0))
    def _init():
        colacc[...] = jnp.zeros_like(colacc)
        sacc[0] = 0.0
        sacc[1] = 0.0
        sacc[2] = 0.0
        sacc[3] = 0.0
        for c in range(N_KC):
            wc = w_ref[pl.ds(c * KC, KC), :]
            nw = jnp.sqrt(jnp.sum(wc * wc, axis=1, keepdims=True))
            ec = wc / jnp.maximum(nw, 1e-12)
            emb_s[pl.ds(c * KC, KC), :] = ec
            ne2_s[0, pl.ds(c * KC, KC)] = jnp.sum(ec * ec, axis=1)

    zc = zt_ref[0]
    z = zc.T
    nz = jnp.sqrt(jnp.sum(z * z, axis=1, keepdims=True))
    zn = z / jnp.maximum(nz, 1e-12)
    zn_ref[...] = zn
    nz2 = jnp.sum(zn * zn, axis=1)

    zn2 = zn + zn
    iota_l = lax.broadcasted_iota(jnp.int32, (BM, KC), 1)
    ones_col = jnp.ones((KC, 1), jnp.float32)
    _C2 = -1.4426950408889634 / TEMP
    run_min = None
    run_arg = None
    rm_list = []
    Z = None
    Sed = None
    for kb in range(N_KC):
        emb_c = emb_s[pl.ds(kb * KC, KC), :]
        s2 = lax.dot_general(zn2, emb_c, (((1,), (1,)), ((), ())),
                             preferred_element_type=jnp.float32,
                             precision=_PREC)
        d_c = nz2[:, None] + ne2_s[0, pl.ds(kb * KC, KC)][None, :] - s2
        mn_c = jnp.min(d_c, axis=1)
        am_c = jnp.min(jnp.where(d_c == mn_c[:, None], iota_l, jnp.int32(2**30)),
                       axis=1) + kb * KC
        rm_prev = run_min
        if kb == 0:
            run_min, run_arg = mn_c, am_c
        else:
            upd = mn_c < run_min
            run_min = jnp.where(upd, mn_c, run_min)
            run_arg = jnp.where(upd, am_c, run_arg)
        rm_list.append(run_min)
        e_c = jnp.exp2((d_c - run_min[:, None]) * _C2)
        e_s[:, pl.ds(kb * KC, KC)] = e_c.astype(jnp.bfloat16)
        z_c = lax.dot_general(e_c, ones_col, (((1,), (0,)), ((), ())),
                              preferred_element_type=jnp.float32)[:, 0]
        sed_c = jnp.sum(e_c * d_c, axis=1)
        if kb == 0:
            Z, Sed = z_c, sed_c
        else:
            fac = jnp.exp((run_min - rm_prev) * (1.0 / TEMP))
            Z = Z * fac + z_c
            Sed = Sed * fac + sed_c

    rz = 1.0 / Z
    for kb in range(N_KC):
        w = (jnp.exp((run_min - rm_list[kb]) * (1.0 / TEMP)) * rz)
        w_bf = w.astype(jnp.bfloat16)[None, :]
        e_c = e_s[:, pl.ds(kb * KC, KC)]
        part = lax.dot_general(w_bf, e_c, (((1,), (0,)), ((), ())),
                               preferred_element_type=jnp.float32)
        colacc[0, pl.ds(kb * KC, KC)] = colacc[0, pl.ds(kb * KC, KC)] + part[0]

    plogp = (Sed / Z - run_min) * (-1.0 / TEMP) - jnp.log(Z)
    sacc[0] = sacc[0] + jnp.sum(plogp)

    w_coord = lax.broadcasted_iota(jnp.int32, (1, BM), 1)[0] % 32
    q = qids_ref[b]
    maskv = (w_coord <= q).astype(jnp.float32)
    sacc[1] = sacc[1] + jnp.sum(run_min * maskv)
    sacc[2] = sacc[2] + jnp.sum(maskv)

    idx_ref[0, 0, :] = run_arg

    @pl.when(b == 0)
    def _dcr_first():
        ref0[0, :] = run_arg
        eqacc[0, :] = jnp.ones((BM,), jnp.int32)

    @pl.when(b > 0)
    def _dcr_rest():
        eqacc[0, :] = eqacc[0, :] & (run_arg == ref0[0, :]).astype(jnp.int32)

    @pl.when(b == 3)
    def _dcr_sum():
        sacc[3] = sacc[3] + jnp.sum(eqacc[0, :].astype(jnp.float32))

    @pl.when((pb == BLOCKS_PER_BATCH - 1) & (b == 3))
    def _final():
        avgp = colacc[0, :] / jnp.float32(N_TOK)
        avg_entropy = -jnp.sum(avgp * jnp.log(avgp + 1e-5))
        sample_entropy = -(sacc[0] / jnp.float32(N_TOK))
        ent_ref[0, 0] = ENT_RATIO * (sample_entropy - avg_entropy)
        vq_loss = (sacc[1] / jnp.float32(E_DIM)) / (sacc[2] / 32.0)
        vq_ref[0, 0] = vq_loss
        com_ref[0, 0] = BETA * vq_loss
        dcr_ref[0, 0] = sacc[3] / jnp.float32(1024)


def _vq_main(z3, W, qids_flat):
    scalar_spec = pl.BlockSpec(memory_space=pltpu.SMEM)
    def _tok(pb, b):
        return b * BLOCKS_PER_BATCH + pb

    grid_spec = pltpu.PrefetchScalarGridSpec(
        num_scalar_prefetch=1,
        grid=(BLOCKS_PER_BATCH, 4),
        in_specs=[
            pl.BlockSpec((1, E_DIM, BM), lambda pb, b, q: (b, 0, pb)),
            pl.BlockSpec((N_E, E_DIM), lambda pb, b, q: (0, 0)),
        ],
        out_specs=[
            pl.BlockSpec((BM, E_DIM), lambda pb, b, q: (_tok(pb, b), 0)),
            pl.BlockSpec((1, 1, BM), lambda pb, b, q: (_tok(pb, b), 0, 0)),
            scalar_spec, scalar_spec, scalar_spec, scalar_spec,
        ],
        scratch_shapes=[
            pltpu.VMEM((BM, N_E), jnp.bfloat16),
            pltpu.VMEM((N_E, E_DIM), jnp.float32),
            pltpu.VMEM((1, N_E), jnp.float32),
            pltpu.VMEM((1, N_E), jnp.float32),
            pltpu.VMEM((1, BM), jnp.int32),
            pltpu.VMEM((1, BM), jnp.int32),
            pltpu.SMEM((4,), jnp.float32),
        ],
    )
    return pl.pallas_call(
        _vq_main_body,
        grid_spec=grid_spec,
        out_shape=[
            jax.ShapeDtypeStruct((N_TOK, E_DIM), jnp.float32),
            jax.ShapeDtypeStruct((GRID, 1, BM), jnp.int32),
            jax.ShapeDtypeStruct((1, 1), jnp.float32),
            jax.ShapeDtypeStruct((1, 1), jnp.float32),
            jax.ShapeDtypeStruct((1, 1), jnp.float32),
            jax.ShapeDtypeStruct((1, 1), jnp.float32),
        ],
    )(qids_flat, z3, W)


def _sc_gather(emb, idx):
    info = plsc.get_sparse_core_info()
    nc, ns = info.num_cores, info.num_subcores
    nw = nc * ns
    b_per_w = N_TOK // nw
    mesh = plsc.VectorSubcoreMesh(core_axis_name="c", subcore_axis_name="s")

    @functools.partial(
        pl.kernel, mesh=mesh,
        out_type=jax.ShapeDtypeStruct((N_TOK, E_DIM), jnp.float32),
        scratch_types=[
            pltpu.VMEM((b_per_w,), jnp.int32),
            pltpu.VMEM((b_per_w, E_DIM), jnp.float32),
            pltpu.SemaphoreType.DMA,
        ],
    )
    def k(table_hbm, idx_hbm, out_hbm, idx_v, rows_v, sem):
        wid = lax.axis_index("s") * nc + lax.axis_index("c")
        base = wid * b_per_w
        pltpu.sync_copy(idx_hbm.at[pl.ds(base, b_per_w)], idx_v)
        pltpu.async_copy(table_hbm.at[idx_v], rows_v, sem).wait()
        pltpu.sync_copy(rows_v, out_hbm.at[pl.ds(base, b_per_w)])

    return k(emb, idx)


def _epilogue_body(zn_ref, zq_ref, out_ref):
    zn = zn_ref[...]
    rows = zq_ref[...]
    n = jnp.sqrt(jnp.sum(rows * rows, axis=1, keepdims=True))
    zq = rows / jnp.maximum(n, 1e-12)
    st = zn + (zq - zn)
    out_ref[0] = st.T


def _epilogue(zn_flat, zq_flat):
    return pl.pallas_call(
        _epilogue_body,
        grid=(4,),
        in_specs=[
            pl.BlockSpec((1024, E_DIM), lambda i: (i, 0)),
            pl.BlockSpec((1024, E_DIM), lambda i: (i, 0)),
        ],
        out_specs=pl.BlockSpec((1, E_DIM, 1024), lambda i: (i, 0, 0)),
        out_shape=jax.ShapeDtypeStruct((4, E_DIM, 1024), jnp.float32),
    )(zn_flat, zq_flat)


def kernel(z, W, query_ids):
    B = z.shape[0]
    z3 = z.reshape(B, E_DIM, 1024)
    qids_flat = query_ids[:, -1].reshape(B)
    zn_flat, idx3, vq, com, ent, dcr = _vq_main(z3, W, qids_flat)
    idx = idx3.reshape(N_TOK)
    zq_flat = _sc_gather(W, idx)
    zq_out = _epilogue(zn_flat, zq_flat).reshape(B, E_DIM, 32, 32)
    return (zq_out, vq[0, 0], com[0, 0], ent[0, 0], dcr[0, 0], idx)

# --- scband reference (transcript-rebuilt; emitter-appended) ---
"""Pipeline reference for scband-vector-quantizer-70755291234679 (READ-ONLY COPY).

The authoritative reference and input builder live on the scoring server;
editing this copy changes nothing except your own understanding.
"""

import jax, jax.numpy as jnp
import numpy as np

N_E = 8192
E_DIM = 256
BETA = 0.25
ENT_RATIO = 0.1


def _l2norm(x):
    n = jnp.sqrt(jnp.sum(x * x, axis=-1, keepdims=True))
    return x / jnp.maximum(n, 1e-12)


def _entropy_loss(affinity, temperature=0.01):
    flat = affinity.reshape(-1, affinity.shape[-1]) / temperature
    probs = jax.nn.softmax(flat, axis=-1)
    log_probs = jax.nn.log_softmax(flat + 1e-05, axis=-1)
    avg_probs = jnp.mean(probs, axis=0)
    avg_entropy = -jnp.sum(avg_probs * jnp.log(avg_probs + 1e-05))
    sample_entropy = -jnp.mean(jnp.sum(probs * log_probs, axis=-1))
    return sample_entropy - avg_entropy


def setup_inputs(seed: int = 0):
    key = jax.random.key(seed)
    k1, k2, k3 = jax.random.split(key, 3)
    z = jax.random.normal(k1, (4, 256, 32, 32), dtype=jnp.float32)
    query_ids = jax.random.randint(k2, (4, 1), 0, 32, dtype=jnp.int32)
    W = jax.random.uniform(k3, (N_E, E_DIM), minval=-1.0 / N_E, maxval=1.0 / N_E, dtype=jnp.float32)
    W = _l2norm(W)
    return {"z": z, "W": W, "query_ids": query_ids}


def _forward(z, W, query_ids):
    B = z.shape[0]
    zt = jnp.transpose(z, (0, 2, 3, 1))  # b h w c
    zt = _l2norm(zt)
    z_flat = zt.reshape(-1, E_DIM)
    emb = _l2norm(W)
    d = (jnp.sum(z_flat ** 2, axis=1, keepdims=True)
         + jnp.sum(emb ** 2, axis=1)
         - 2.0 * (z_flat @ emb.T))
    idx = jnp.argmin(d, axis=1)
    z_q = jnp.take(emb, idx, axis=0).reshape(zt.shape)
    code = idx.reshape(B, -1).astype(jnp.float32)
    dead_code_rate = jnp.mean((jnp.std(code, axis=0, ddof=1) < 1e-05).astype(jnp.float32))
    vq = jnp.mean((z_q - jax.lax.stop_gradient(zt)) ** 2, axis=-1, keepdims=True)
    commit = BETA * jnp.mean((jax.lax.stop_gradient(z_q) - zt) ** 2, axis=-1, keepdims=True)
    Wd = vq.shape[2]
    loss_mask = (jnp.arange(Wd).reshape(1, 1, -1, 1)
                 <= query_ids[:, -1].reshape(-1, 1, 1, 1)).astype(jnp.float32)
    vq_loss = jnp.sum(vq * loss_mask) / jnp.sum(loss_mask)
    commit_loss = jnp.sum(commit * loss_mask) / jnp.sum(loss_mask)
    entropy_loss = ENT_RATIO * _entropy_loss(-d)
    z_q_st = zt + jax.lax.stop_gradient(z_q - zt)
    z_q_out = jnp.transpose(z_q_st, (0, 3, 1, 2))  # b c h w
    return z_q_out, vq_loss, commit_loss, entropy_loss, dead_code_rate, idx


def reference(z, W, query_ids):
    return _forward(z, W, query_ids)

if __name__ == "__main__":
    import jax
    _d = setup_inputs()
    print(jax.jit(kernel)(*tuple(_d.values())))

</pallas_src>

<mosaic_0001>
#map = affine_map<(d0, d1) -> (0, 0)>
#map1 = affine_map<(d0, d1) -> (0)>
module attributes {stable_mosaic.version = 14 : i64} {
  func.func @k(%arg0: i32, %arg1: i32, %arg2: memref<8192x256xf32, #tpu.memory_space<hbm>>, %arg3: memref<4096xi32, #tpu.memory_space<hbm>>, %arg4: memref<4096x256xf32, #tpu.memory_space<hbm>>, %arg5: memref<128xi32, #tpu.memory_space<vmem>>, %arg6: memref<128x256xf32, #tpu.memory_space<vmem>>, %arg7: memref<!tpu.dma_semaphore, #tpu.memory_space<semaphore_mem>>) attributes {dimension_semantics = [#tpu.dimension_semantics<core_parallel>, #tpu.dimension_semantics<subcore_parallel>], iteration_bounds = array<i64: 2, 16>, scalar_prefetch = 0 : i64, scratch_operands = 3 : i64, tpu.core_type = #tpu.core_type<sc_vector_subcore>, window_params = [{transform_indices = #map}, {transform_indices = #map1}, {transform_indices = #map}]} {
    %mul3A = arith.constant 2 : i32
    %mul3A_0 = arith.muli %arg1, %mul3A : i32
    %add3A = arith.addi %mul3A_0, %arg0 : i32
    %mul3A_1 = arith.constant 128 : i32
    %mul3A_2 = arith.muli %add3A, %mul3A_1 : i32
    "tpu.region"() ({
      %run_scoped3A = tpu.sem_alloc : memref<!tpu.dma_semaphore, #tpu.memory_space<semaphore_mem>>
      %dma_start3A_7 = tpu.memref_slice %arg3[%mul3A_2] : memref<4096xi32, #tpu.memory_space<hbm>> -> memref<128xi32, #tpu.memory_space<hbm>>
      %dma_start3A_8 = tpu.memref_slice %arg3[%mul3A_2] : memref<4096xi32, #tpu.memory_space<hbm>> -> memref<128xi32, #tpu.memory_space<hbm>>
      tpu.enqueue_dma source(%dma_start3A_8 : memref<128xi32, #tpu.memory_space<hbm>>) target(%arg5 : memref<128xi32, #tpu.memory_space<vmem>>) target_semaphore(%run_scoped3A : memref<!tpu.dma_semaphore, #tpu.memory_space<semaphore_mem>>)
      %dma_wait3A_9 = tpu.memref_slice %arg3[%mul3A_2] : memref<4096xi32, #tpu.memory_space<hbm>> -> memref<128xi32, #tpu.memory_space<hbm>>
      %dma_wait3A_10 = tpu.memref_slice %arg3[%mul3A_2] : memref<4096xi32, #tpu.memory_space<hbm>> -> memref<128xi32, #tpu.memory_space<hbm>>
      tpu.wait_dma2 semaphore(%run_scoped3A : memref<!tpu.dma_semaphore, #tpu.memory_space<semaphore_mem>>) src(%dma_wait3A_10 : memref<128xi32, #tpu.memory_space<hbm>>) dst(%arg5 : memref<128xi32, #tpu.memory_space<vmem>>)
      tpu.yield
    }) : () -> ()
    %dma_start3A = arith.constant 0 : i32
    %dma_start3A_3 = arith.constant 0 : i32
    %dma_start3A_4 = tpu.memref_slice %arg2[%dma_start3A, %dma_start3A_3] : memref<8192x256xf32, #tpu.memory_space<hbm>> -> memref<8192x256xf32, #tpu.memory_space<hbm>>
    tpu.enqueue_indirect_dma source(%dma_start3A_4 : memref<8192x256xf32, #tpu.memory_space<hbm>>) target(%arg6 : memref<128x256xf32, #tpu.memory_space<vmem>>) offsets(%arg5 : memref<128xi32, #tpu.memory_space<vmem>>) semaphore(%arg7 : memref<!tpu.dma_semaphore, #tpu.memory_space<semaphore_mem>>)
    %dma_wait3A = arith.constant 0 : i32
    %dma_wait3A_5 = arith.constant 0 : i32
    %dma_wait3A_6 = tpu.memref_slice %arg2[%dma_wait3A, %dma_wait3A_5] : memref<8192x256xf32, #tpu.memory_space<hbm>> -> memref<8192x256xf32, #tpu.memory_space<hbm>>
    tpu.wait_indirect_dma semaphore(%arg7 : memref<!tpu.dma_semaphore, #tpu.memory_space<semaphore_mem>>) src(%dma_wait3A_6 : memref<8192x256xf32, #tpu.memory_space<hbm>>) dst(%arg6 : memref<128x256xf32, #tpu.memory_space<vmem>>)
    "tpu.region"() ({
      %run_scoped3A = tpu.sem_alloc : memref<!tpu.dma_semaphore, #tpu.memory_space<semaphore_mem>>
      %dma_start3A_7 = arith.constant 0 : i32
      %dma_start3A_8 = tpu.memref_slice %arg4[%mul3A_2, %dma_start3A_7] : memref<4096x256xf32, #tpu.memory_space<hbm>> -> memref<128x256xf32, #tpu.memory_space<hbm>>
      %dma_start3A_9 = arith.constant 0 : i32
      %dma_start3A_10 = tpu.memref_slice %arg4[%mul3A_2, %dma_start3A_9] : memref<4096x256xf32, #tpu.memory_space<hbm>> -> memref<128x256xf32, #tpu.memory_space<hbm>>
      tpu.enqueue_dma source(%arg6 : memref<128x256xf32, #tpu.memory_space<vmem>>) target(%dma_start3A_10 : memref<128x256xf32, #tpu.memory_space<hbm>>) target_semaphore(%run_scoped3A : memref<!tpu.dma_semaphore, #tpu.memory_space<semaphore_mem>>)
      %dma_wait3A_11 = arith.constant 0 : i32
      %dma_wait3A_12 = tpu.memref_slice %arg4[%mul3A_2, %dma_wait3A_11] : memref<4096x256xf32, #tpu.memory_space<hbm>> -> memref<128x256xf32, #tpu.memory_space<hbm>>
      %dma_wait3A_13 = arith.constant 0 : i32
      %dma_wait3A_14 = tpu.memref_slice %arg4[%mul3A_2, %dma_wait3A_13] : memref<4096x256xf32, #tpu.memory_space<hbm>> -> memref<128x256xf32, #tpu.memory_space<hbm>>
      tpu.wait_dma2 semaphore(%run_scoped3A : memref<!tpu.dma_semaphore, #tpu.memory_space<semaphore_mem>>) src(%arg6 : memref<128x256xf32, #tpu.memory_space<vmem>>) dst(%dma_wait3A_14 : memref<128x256xf32, #tpu.memory_space<hbm>>)
      tpu.yield
    }) : () -> ()
    return
  }
}

module attributes {stable_mosaic.version = 14 : i64} {
  func.func @_vq_main_body(%arg0: i32, %arg1: i32, %arg2: memref<4xi32, #tpu.memory_space<smem>>, %arg3: memref<1x256x256xf32, #tpu.memory_space<vmem>>, %arg4: memref<8192x256xf32, #tpu.memory_space<vmem>>, %arg5: memref<256x256xf32, #tpu.memory_space<vmem>>, %arg6: memref<1x1x256xi32, #tpu.memory_space<vmem>>, %arg7: memref<1x1xf32, #tpu.memory_space<smem>>, %arg8: memref<1x1xf32, #tpu.memory_space<smem>>, %arg9: memref<1x1xf32, #tpu.memory_space<smem>>, %arg10: memref<1x1xf32, #tpu.memory_space<smem>>, %arg11: memref<256x8192xbf16, #tpu.memory_space<vmem>>, %arg12: memref<8192x256xf32, #tpu.memory_space<vmem>>, %arg13: memref<1x8192xf32, #tpu.memory_space<vmem>>, %arg14: memref<1x8192xf32, #tpu.memory_space<vmem>>, %arg15: memref<1x256xi32, #tpu.memory_space<vmem>>, %arg16: memref<1x256xi32, #tpu.memory_space<vmem>>, %arg17: memref<4xf32, #tpu.memory_space<smem>>) attributes {dimension_semantics = [#tpu.dimension_semantics<arbitrary>, #tpu.dimension_semantics<arbitrary>], iteration_bounds = array<i64: 4, 4>, scalar_prefetch = 1 : i64, scratch_operands = 7 : i64, tpu.core_type = #tpu.core_type<tc>, window_params = [{transform_indices = @transform_0, window_bounds = array<i64: 1, 256, 256>}, {pipeline_mode = #tpu.pipeline_mode<synchronous>, transform_indices = @transform_1, window_bounds = array<i64: 8192, 256>}, {transform_indices = @transform_2, window_bounds = array<i64: 256, 256>}, {transform_indices = @transform_3, window_bounds = array<i64: 1, 1, 256>}, {transform_indices = @transform_4, window_bounds = array<i64: 1, 1>}, {transform_indices = @transform_5, window_bounds = array<i64: 1, 1>}, {transform_indices = @transform_6, window_bounds = array<i64: 1, 1>}, {transform_indices = @transform_7, window_bounds = array<i64: 1, 1>}]} {
    %eq3A = arith.constant 0 : i32
    %eq3A_0 = arith.cmpi eq, %arg0, %eq3A : i32
    %eq3A_1 = arith.constant 0 : i32
    %eq3A_2 = arith.cmpi eq, %arg1, %eq3A_1 : i32
    %and3A = arith.andi %eq3A_0, %eq3A_2 : i1
    %convert_element_type3A = arith.extui %and3A : i1 to i32
    %cond3A = arith.constant 0 : i32
    %cond3A_3 = arith.cmpi ne, %convert_element_type3A, %cond3A : i32
    scf.if %cond3A_3 {
      %broadcast_in_dim3A_417 = arith.constant 0.000000e+00 : f32
      %broadcast_in_dim3A_418 = vector.broadcast %broadcast_in_dim3A_417 : f32 to vector<1x8192xf32>
      %swap3A_419 = arith.constant 0 : index
      %swap3A_420 = arith.constant 0 : index
      %swap3A_421 = vector.load %arg14[%swap3A_419, %swap3A_420] : memref<1x8192xf32, #tpu.memory_space<vmem>>, vector<1x8192xf32>
      tpu.vector_store %arg14[%swap3A_419, %swap3A_420], %broadcast_in_dim3A_418 {strides = array<i32>} : memref<1x8192xf32, #tpu.memory_space<vmem>>, vector<1x8192xf32>,
      %swap3A_422 = arith.constant 0.000000e+00 : f32
      %swap3A_423 = arith.constant 0 : index
      %swap3A_424 = memref.load %arg17[%swap3A_423] : memref<4xf32, #tpu.memory_space<smem>>
      memref.store %swap3A_422, %arg17[%swap3A_423] : memref<4xf32, #tpu.memory_space<smem>>
      %swap3A_425 = arith.constant 0.000000e+00 : f32
      %swap3A_426 = arith.constant 1 : index
      %swap3A_427 = memref.load %arg17[%swap3A_426] : memref<4xf32, #tpu.memory_space<smem>>
      memref.store %swap3A_425, %arg17[%swap3A_426] : memref<4xf32, #tpu.memory_space<smem>>
      %swap3A_428 = arith.constant 0.000000e+00 : f32
      %swap3A_429 = arith.constant 2 : index
      %swap3A_430 = memref.load %arg17[%swap3A_429] : memref<4xf32, #tpu.memory_space<smem>>
      memref.store %swap3A_428, %arg17[%swap3A_429] : memref<4xf32, #tpu.memory_space<smem>>
      %swap3A_431 = arith.constant 0.000000e+00 : f32
      %swap3A_432 = arith.constant 3 : index
      %swap3A_433 = memref.load %arg17[%swap3A_432] : memref<4xf32, #tpu.memory_space<smem>>
      memref.store %swap3A_431, %arg17[%swap3A_432] : memref<4xf32, #tpu.memory_space<smem>>
      %get3A_434 = arith.constant 0 : index
      %get3A_435 = arith.constant 0 : index
      %get3A_436 = vector.load %arg4[%get3A_434, %get3A_435] : memref<8192x256xf32, #tpu.memory_space<vmem>>, vector<2048x256xf32>
      %mul3A_437 = arith.mulf %get3A_436, %get3A_436 : vector<2048x256xf32>
      %reduce_sum3A_438 = arith.constant dense<0.000000e+00> : vector<2048xf32>
      %reduce_sum3A_439 = vector.multi_reduction <add>, %mul3A_437, %reduce_sum3A_438 [1] : vector<2048x256xf32> to vector<2048xf32>
      %broadcast_in_dim3A_440 = vector.shape_cast %reduce_sum3A_439 : vector<2048xf32> to vector<2048x1xf32>
      %sqrt3A_441 = math.sqrt %broadcast_in_dim3A_440 : vector<2048x1xf32>
      %max3A_442 = arith.constant 9.99999996E-13 : f32
      %max3A_443 = vector.broadcast %max3A_442 : f32 to vector<2048x1xf32>
      %max3A_444 = arith.maximumf %sqrt3A_441, %max3A_443 : vector<2048x1xf32>
      %div3A_445 = vector.broadcast %max3A_444 : vector<2048x1xf32> to vector<2048x256xf32>
      %div3A_446 = arith.divf %get3A_436, %div3A_445 : vector<2048x256xf32>
      %swap3A_447 = arith.constant 0 : index
      %swap3A_448 = arith.constant 0 : index
      %swap3A_449 = vector.load %arg12[%swap3A_447, %swap3A_448] : memref<8192x256xf32, #tpu.memory_space<vmem>>, vector<2048x256xf32>
      tpu.vector_store %arg12[%swap3A_447, %swap3A_448], %div3A_446 {strides = array<i32>} : memref<8192x256xf32, #tpu.memory_space<vmem>>, vector<2048x256xf32>,
      %mul3A_450 = arith.mulf %div3A_446, %div3A_446 : vector<2048x256xf32>
      %reduce_sum3A_451 = arith.constant dense<0.000000e+00> : vector<2048xf32>
      %reduce_sum3A_452 = vector.multi_reduction <add>, %mul3A_450, %reduce_sum3A_451 [1] : vector<2048x256xf32> to vector<2048xf32>
      %swap3A_453 = arith.constant 0 : index
      %swap3A_454 = arith.constant 0 : index
      %swap3A_455 = vector.load %arg13[%swap3A_453, %swap3A_454] : memref<1x8192xf32, #tpu.memory_space<vmem>>, vector<1x2048xf32>
      %swap3A_456 = vector.shape_cast %swap3A_455 : vector<1x2048xf32> to vector<2048xf32>
      %swap3A_457 = vector.shape_cast %reduce_sum3A_452 : vector<2048xf32> to vector<1x2048xf32>
      tpu.vector_store %arg13[%swap3A_453, %swap3A_454], %swap3A_457 {strides = array<i32>} : memref<1x8192xf32, #tpu.memory_space<vmem>>, vector<1x2048xf32>,
      %get3A_458 = arith.constant 2048 : index
      %get3A_459 = arith.constant 0 : index
      %get3A_460 = vector.load %arg4[%get3A_458, %get3A_459] : memref<8192x256xf32, #tpu.memory_space<vmem>>, vector<2048x256xf32>
      %mul3A_461 = arith.mulf %get3A_460, %get3A_460 : vector<2048x256xf32>
      %reduce_sum3A_462 = arith.constant dense<0.000000e+00> : vector<2048xf32>
      %reduce_sum3A_463 = vector.multi_reduction <add>, %mul3A_461, %reduce_sum3A_462 [1] : vector<2048x256xf32> to vector<2048xf32>
      %broadcast_in_dim3A_464 = vector.shape_cast %reduce_sum3A_463 : vector<2048xf32> to vector<2048x1xf32>
      %sqrt3A_465 = math.sqrt %broadcast_in_dim3A_464 : vector<2048x1xf32>
      %max3A_466 = arith.constant 9.99999996E-13 : f32
      %max3A_467 = vector.broadcast %max3A_466 : f32 to vector<2048x1xf32>
      %max3A_468 = arith.maximumf %sqrt3A_465, %max3A_467 : vector<2048x1xf32>
      %div3A_469 = vector.broadcast %max3A_468 : vector<2048x1xf32> to vector<2048x256xf32>
      %div3A_470 = arith.divf %get3A_460, %div3A_469 : vector<2048x256xf32>
      %swap3A_471 = arith.constant 2048 : index
      %swap3A_472 = arith.constant 0 : index
      %swap3A_473 = vector.load %arg12[%swap3A_471, %swap3A_472] : memref<8192x256xf32, #tpu.memory_space<vmem>>, vector<2048x256xf32>
      tpu.vector_store %arg12[%swap3A_471, %swap3A_472], %div3A_470 {strides = array<i32>} : memref<8192x256xf32, #tpu.memory_space<vmem>>, vector<2048x256xf32>,
      %mul3A_474 = arith.mulf %div3A_470, %div3A_470 : vector<2048x256xf32>
      %reduce_sum3A_475 = arith.constant dense<0.000000e+00> : vector<2048xf32>
      %reduce_sum3A_476 = vector.multi_reduction <add>, %mul3A_474, %reduce_sum3A_475 [1] : vector<2048x256xf32> to vector<2048xf32>
      %swap3A_477 = arith.constant 0 : index
      %swap3A_478 = arith.constant 2048 : index
      %swap3A_479 = vector.load %arg13[%swap3A_477, %swap3A_478] : memref<1x8192xf32, #tpu.memory_space<vmem>>, vector<1x2048xf32>
      %swap3A_480 = vector.shape_cast %swap3A_479 : vector<1x2048xf32> to vector<2048xf32>
      %swap3A_481 = vector.shape_cast %reduce_sum3A_476 : vector<2048xf32> to vector<1x2048xf32>
      tpu.vector_store %arg13[%swap3A_477, %swap3A_478], %swap3A_481 {strides = array<i32>} : memref<1x8192xf32, #tpu.memory_space<vmem>>, vector<1x2048xf32>,
      %get3A_482 = arith.constant 4096 : index
      %get3A_483 = arith.constant 0 : index
      %get3A_484 = vector.load %arg4[%get3A_482, %get3A_483] : memref<8192x256xf32, #tpu.memory_space<vmem>>, vector<2048x256xf32>
      %mul3A_485 = arith.mulf %get3A_484, %get3A_484 : vector<2048x256xf32>
      %reduce_sum3A_486 = arith.constant dense<0.000000e+00> : vector<2048xf32>
      %reduce_sum3A_487 = vector.multi_reduction <add>, %mul3A_485, %reduce_sum3A_486 [1] : vector<2048x256xf32> to vector<2048xf32>
      %broadcast_in_dim3A_488 = vector.shape_cast %reduce_sum3A_487 : vector<2048xf32> to vector<2048x1xf32>
      %sqrt3A_489 = math.sqrt %broadcast_in_dim3A_488 : vector<2048x1xf32>
      %max3A_490 = arith.constant 9.99999996E-13 : f32
      %max3A_491 = vector.broadcast %max3A_490 : f32 to vector<2048x1xf32>
      %max3A_492 = arith.maximumf %sqrt3A_489, %max3A_491 : vector<2048x1xf32>
      %div3A_493 = vector.broadcast %max3A_492 : vector<2048x1xf32> to vector<2048x256xf32>
      %div3A_494 = arith.divf %get3A_484, %div3A_493 : vector<2048x256xf32>
      %swap3A_495 = arith.constant 4096 : index
      %swap3A_496 = arith.constant 0 : index
      %swap3A_497 = vector.load %arg12[%swap3A_495, %swap3A_496] : memref<8192x256xf32, #tpu.memory_space<vmem>>, vector<2048x256xf32>
      tpu.vector_store %arg12[%swap3A_495, %swap3A_496], %div3A_494 {strides = array<i32>} : memref<8192x256xf32, #tpu.memory_space<vmem>>, vector<2048x256xf32>,
      %mul3A_498 = arith.mulf %div3A_494, %div3A_494 : vector<2048x256xf32>
      %reduce_sum3A_499 = arith.constant dense<0.000000e+00> : vector<2048xf32>
      %reduce_sum3A_500 = vector.multi_reduction <add>, %mul3A_498, %reduce_sum3A_499 [1] : vector<2048x256xf32> to vector<2048xf32>
      %swap3A_501 = arith.constant 0 : index
      %swap3A_502 = arith.constant 4096 : index
      %swap3A_503 = vector.load %arg13[%swap3A_501, %swap3A_502] : memref<1x8192xf32, #tpu.memory_space<vmem>>, vector<1x2048xf32>
      %swap3A_504 = vector.shape_cast %swap3A_503 : vector<1x2048xf32> to vector<2048xf32>
      %swap3A_505 = vector.shape_cast %reduce_sum3A_500 : vector<2048xf32> to vector<1x2048xf32>
      tpu.vector_store %arg13[%swap3A_501, %swap3A_502], %swap3A_505 {strides = array<i32>} : memref<1x8192xf32, #tpu.memory_space<vmem>>, vector<1x2048xf32>,
      %get3A_506 = arith.constant 6144 : index
      %get3A_507 = arith.constant 0 : index
      %get3A_508 = vector.load %arg4[%get3A_506, %get3A_507] : memref<8192x256xf32, #tpu.memory_space<vmem>>, vector<2048x256xf32>
      %mul3A_509 = arith.mulf %get3A_508, %get3A_508 : vector<2048x256xf32>
      %reduce_sum3A_510 = arith.constant dense<0.000000e+00> : vector<2048xf32>
      %reduce_sum3A_511 = vector.multi_reduction <add>, %mul3A_509, %reduce_sum3A_510 [1] : vector<2048x256xf32> to vector<2048xf32>
      %broadcast_in_dim3A_512 = vector.shape_cast %reduce_sum3A_511 : vector<2048xf32> to vector<2048x1xf32>
      %sqrt3A_513 = math.sqrt %broadcast_in_dim3A_512 : vector<2048x1xf32>
      %max3A_514 = arith.constant 9.99999996E-13 : f32
      %max3A_515 = vector.broadcast %max3A_514 : f32 to vector<2048x1xf32>
      %max3A_516 = arith.maximumf %sqrt3A_513, %max3A_515 : vector<2048x1xf32>
      %div3A_517 = vector.broadcast %max3A_516 : vector<2048x1xf32> to vector<2048x256xf32>
      %div3A_518 = arith.divf %get3A_508, %div3A_517 : vector<2048x256xf32>
      %swap3A_519 = arith.constant 6144 : index
      %swap3A_520 = arith.constant 0 : index
      %swap3A_521 = vector.load %arg12[%swap3A_519, %swap3A_520] : memref<8192x256xf32, #tpu.memory_space<vmem>>, vector<2048x256xf32>
      tpu.vector_store %arg12[%swap3A_519, %swap3A_520], %div3A_518 {strides = array<i32>} : memref<8192x256xf32, #tpu.memory_space<vmem>>, vector<2048x256xf32>,
      %mul3A_522 = arith.mulf %div3A_518, %div3A_518 : vector<2048x256xf32>
      %reduce_sum3A_523 = arith.constant dense<0.000000e+00> : vector<2048xf32>
      %reduce_sum3A_524 = vector.multi_reduction <add>, %mul3A_522, %reduce_sum3A_523 [1] : vector<2048x256xf32> to vector<2048xf32>
      %swap3A_525 = arith.constant 0 : index
      %swap3A_526 = arith.constant 6144 : index
      %swap3A_527 = vector.load %arg13[%swap3A_525, %swap3A_526] : memref<1x8192xf32, #tpu.memory_space<vmem>>, vector<1x2048xf32>
      %swap3A_528 = vector.shape_cast %swap3A_527 : vector<1x2048xf32> to vector<2048xf32>
      %swap3A_529 = vector.shape_cast %reduce_sum3A_524 : vector<2048xf32> to vector<1x2048xf32>
      tpu.vector_store %arg13[%swap3A_525, %swap3A_526], %swap3A_529 {strides = array<i32>} : memref<1x8192xf32, #tpu.memory_space<vmem>>, vector<1x2048xf32>,
    } else {
    }
    %get3A = arith.constant 0 : index
    %get3A_4 = arith.constant 0 : index
    %get3A_5 = arith.constant 0 : index
    %get3A_6 = vector.load %arg3[%get3A, %get3A_4, %get3A_5] : memref<1x256x256xf32, #tpu.memory_space<vmem>>, vector<1x256x256xf32>
    %get3A_7 = vector.shape_cast %get3A_6 : vector<1x256x256xf32> to vector<256x256xf32>
    %transpose3A = tpu.transpose %get3A_7, [1, 0] : vector<256x256xf32> -> vector<256x256xf32>
    %mul3A = arith.mulf %transpose3A, %transpose3A : vector<256x256xf32>
    %reduce_sum3A = arith.constant dense<0.000000e+00> : vector<256xf32>
    %reduce_sum3A_8 = vector.multi_reduction <add>, %mul3A, %reduce_sum3A [1] : vector<256x256xf32> to vector<256xf32>
    %broadcast_in_dim3A = vector.shape_cast %reduce_sum3A_8 : vector<256xf32> to vector<256x1xf32>
    %sqrt3A = math.sqrt %broadcast_in_dim3A : vector<256x1xf32>
    %max3A = arith.constant 9.99999996E-13 : f32
    %max3A_9 = vector.broadcast %max3A : f32 to vector<256x1xf32>
    %max3A_10 = arith.maximumf %sqrt3A, %max3A_9 : vector<256x1xf32>
    %div3A = vector.broadcast %max3A_10 : vector<256x1xf32> to vector<256x256xf32>
    %div3A_11 = arith.divf %transpose3A, %div3A : vector<256x256xf32>
    %swap3A = arith.constant 0 : index
    %swap3A_12 = arith.constant 0 : index
    %swap3A_13 = vector.load %arg5[%swap3A, %swap3A_12] : memref<256x256xf32, #tpu.memory_space<vmem>>, vector<256x256xf32>
    tpu.vector_store %arg5[%swap3A, %swap3A_12], %div3A_11 {strides = array<i32>} : memref<256x256xf32, #tpu.memory_space<vmem>>, vector<256x256xf32>,
    %mul3A_14 = arith.mulf %div3A_11, %div3A_11 : vector<256x256xf32>
    %reduce_sum3A_15 = arith.constant dense<0.000000e+00> : vector<256xf32>
    %reduce_sum3A_16 = vector.multi_reduction <add>, %mul3A_14, %reduce_sum3A_15 [1] : vector<256x256xf32> to vector<256xf32>
    %add3A = arith.addf %div3A_11, %div3A_11 : vector<256x256xf32>
    %iota3A = tpu.iota {dimensions = array<i32: 1>} : vector<256x2048xi32>
    %broadcast_in_dim3A_17 = arith.constant 1.000000e+00 : f32
    %broadcast_in_dim3A_18 = vector.broadcast %broadcast_in_dim3A_17 : f32 to vector<2048x1xf32>
    %get3A_19 = arith.constant 0 : index
    %get3A_20 = arith.constant 0 : index
    %get3A_21 = vector.load %arg12[%get3A_19, %get3A_20] : memref<8192x256xf32, #tpu.memory_space<vmem>>, vector<2048x256xf32>
    %dot_general3A = arith.constant dense<0.000000e+00> : vector<256x2048xf32>
    %dot_general3A_22 = tpu.matmul %add3A, %get3A_21, %dot_general3A {dimension_numbers = #tpu.dot_dimension_numbers<[1], [1], [0], [0], [0, 0, 1, 0], [], []>, transpose_lhs_hint = false} : vector<256x256xf32>, vector<2048x256xf32>, vector<256x2048xf32> -> vector<256x2048xf32>
    %broadcast_in_dim3A_23 = vector.shape_cast %reduce_sum3A_16 : vector<256xf32> to vector<256x1xf32>
    %get3A_24 = arith.constant 0 : index
    %get3A_25 = arith.constant 0 : index
    %get3A_26 = vector.load %arg13[%get3A_24, %get3A_25] : memref<1x8192xf32, #tpu.memory_space<vmem>>, vector<1x2048xf32>
    %get3A_27 = vector.shape_cast %get3A_26 : vector<1x2048xf32> to vector<2048xf32>
    %broadcast_in_dim3A_28 = vector.shape_cast %get3A_27 : vector<2048xf32> to vector<1x2048xf32>
    %add3A_29 = vector.broadcast %broadcast_in_dim3A_23 : vector<256x1xf32> to vector<256x2048xf32>
    %add3A_30 = vector.broadcast %broadcast_in_dim3A_28 : vector<1x2048xf32> to vector<256x2048xf32>
    %add3A_31 = arith.addf %add3A_29, %add3A_30 : vector<256x2048xf32>
    %sub3A = arith.subf %add3A_31, %dot_general3A_22 : vector<256x2048xf32>
    %reduce_min3A = arith.constant dense<0x7F800000> : vector<256xf32>
    %reduce_min3A_32 = vector.multi_reduction <minimumf>, %sub3A, %reduce_min3A [1] : vector<256x2048xf32> to vector<256xf32>
    %broadcast_in_dim3A_33 = vector.shape_cast %reduce_min3A_32 : vector<256xf32> to vector<256x1xf32>
    %eq3A_34 = vector.broadcast %broadcast_in_dim3A_33 : vector<256x1xf32> to vector<256x2048xf32>
    %eq3A_35 = arith.cmpf oeq, %sub3A, %eq3A_34 : vector<256x2048xf32>
    %jit3A = arith.constant 1073741824 : i32
    %broadcast_in_dim3A_36 = vector.broadcast %jit3A : i32 to vector<256x2048xi32>
    %select_n3A = arith.select %eq3A_35, %iota3A, %broadcast_in_dim3A_36 : vector<256x2048xi1>, vector<256x2048xi32>
    %reduce_min3A_37 = arith.constant dense<2147483647> : vector<256xi32>
    %reduce_min3A_38 = vector.multi_reduction <minsi>, %select_n3A, %reduce_min3A_37 [1] : vector<256x2048xi32> to vector<256xi32>
    %add3A_39 = arith.constant 0 : i32
    %add3A_40 = vector.broadcast %add3A_39 : i32 to vector<256xi32>
    %add3A_41 = arith.addi %reduce_min3A_38, %add3A_40 : vector<256xi32>
    %broadcast_in_dim3A_42 = vector.shape_cast %reduce_min3A_32 : vector<256xf32> to vector<256x1xf32>
    %sub3A_43 = vector.broadcast %broadcast_in_dim3A_42 : vector<256x1xf32> to vector<256x2048xf32>
    %sub3A_44 = arith.subf %sub3A, %sub3A_43 : vector<256x2048xf32>
    %mul3A_45 = arith.constant -144.269501 : f32
    %mul3A_46 = vector.broadcast %mul3A_45 : f32 to vector<256x2048xf32>
    %mul3A_47 = arith.mulf %sub3A_44, %mul3A_46 : vector<256x2048xf32>
    %exp23A = math.exp2 %mul3A_47 : vector<256x2048xf32>
    %convert_element_type3A_48 = arith.truncf %exp23A : vector<256x2048xf32> to vector<256x2048xbf16>
    %swap3A_49 = arith.constant 0 : index
    %swap3A_50 = arith.constant 0 : index
    %swap3A_51 = vector.load %arg11[%swap3A_49, %swap3A_50] : memref<256x8192xbf16, #tpu.memory_space<vmem>>, vector<256x2048xbf16>
    tpu.vector_store %arg11[%swap3A_49, %swap3A_50], %convert_element_type3A_48 {strides = array<i32>} : memref<256x8192xbf16, #tpu.memory_space<vmem>>, vector<256x2048xbf16>,
    %dot_general3A_52 = arith.constant dense<0.000000e+00> : vector<256x1xf32>
    %dot_general3A_53 = tpu.matmul %exp23A, %broadcast_in_dim3A_18, %dot_general3A_52 {dimension_numbers = #tpu.dot_dimension_numbers<[1], [0], [0], [1], [0, 0, 1, 1], [], []>, transpose_lhs_hint = false} : vector<256x2048xf32>, vector<2048x1xf32>, vector<256x1xf32> -> vector<256x1xf32>
    %squeeze3A = vector.shape_cast %dot_general3A_53 : vector<256x1xf32> to vector<256xf32>
    %mul3A_54 = arith.mulf %exp23A, %sub3A : vector<256x2048xf32>
    %reduce_sum3A_55 = arith.constant dense<0.000000e+00> : vector<256xf32>
    %reduce_sum3A_56 = vector.multi_reduction <add>, %mul3A_54, %reduce_sum3A_55 [1] : vector<256x2048xf32> to vector<256xf32>
    %get3A_57 = arith.constant 2048 : index
    %get3A_58 = arith.constant 0 : index
    %get3A_59 = vector.load %arg12[%get3A_57, %get3A_58] : memref<8192x256xf32, #tpu.memory_space<vmem>>, vector<2048x256xf32>
    %dot_general3A_60 = arith.constant dense<0.000000e+00> : vector<256x2048xf32>
    %dot_general3A_61 = tpu.matmul %add3A, %get3A_59, %dot_general3A_60 {dimension_numbers = #tpu.dot_dimension_numbers<[1], [1], [0], [0], [0, 0, 1, 0], [], []>, transpose_lhs_hint = false} : vector<256x256xf32>, vector<2048x256xf32>, vector<256x2048xf32> -> vector<256x2048xf32>
    %broadcast_in_dim3A_62 = vector.shape_cast %reduce_sum3A_16 : vector<256xf32> to vector<256x1xf32>
    %get3A_63 = arith.constant 0 : index
    %get3A_64 = arith.constant 2048 : index
    %get3A_65 = vector.load %arg13[%get3A_63, %get3A_64] : memref<1x8192xf32, #tpu.memory_space<vmem>>, vector<1x2048xf32>
    %get3A_66 = vector.shape_cast %get3A_65 : vector<1x2048xf32> to vector<2048xf32>
    %broadcast_in_dim3A_67 = vector.shape_cast %get3A_66 : vector<2048xf32> to vector<1x2048xf32>
    %add3A_68 = vector.broadcast %broadcast_in_dim3A_62 : vector<256x1xf32> to vector<256x2048xf32>
    %add3A_69 = vector.broadcast %broadcast_in_dim3A_67 : vector<1x2048xf32> to vector<256x2048xf32>
    %add3A_70 = arith.addf %add3A_68, %add3A_69 : vector<256x2048xf32>
    %sub3A_71 = arith.subf %add3A_70, %dot_general3A_61 : vector<256x2048xf32>
    %reduce_min3A_72 = arith.constant dense<0x7F800000> : vector<256xf32>
    %reduce_min3A_73 = vector.multi_reduction <minimumf>, %sub3A_71, %reduce_min3A_72 [1] : vector<256x2048xf32> to vector<256xf32>
    %broadcast_in_dim3A_74 = vector.shape_cast %reduce_min3A_73 : vector<256xf32> to vector<256x1xf32>
    %eq3A_75 = vector.broadcast %broadcast_in_dim3A_74 : vector<256x1xf32> to vector<256x2048xf32>
    %eq3A_76 = arith.cmpf oeq, %sub3A_71, %eq3A_75 : vector<256x2048xf32>
    %jit3A_77 = arith.constant 1073741824 : i32
    %broadcast_in_dim3A_78 = vector.broadcast %jit3A_77 : i32 to vector<256x2048xi32>
    %select_n3A_79 = arith.select %eq3A_76, %iota3A, %broadcast_in_dim3A_78 : vector<256x2048xi1>, vector<256x2048xi32>
    %reduce_min3A_80 = arith.constant dense<2147483647> : vector<256xi32>
    %reduce_min3A_81 = vector.multi_reduction <minsi>, %select_n3A_79, %reduce_min3A_80 [1] : vector<256x2048xi32> to vector<256xi32>
    %add3A_82 = arith.constant 2048 : i32
    %add3A_83 = vector.broadcast %add3A_82 : i32 to vector<256xi32>
    %add3A_84 = arith.addi %reduce_min3A_81, %add3A_83 : vector<256xi32>
    %lt3A = arith.cmpf olt, %reduce_min3A_73, %reduce_min3A_32 : vector<256xf32>
    %select_n3A_85 = arith.select %lt3A, %reduce_min3A_73, %reduce_min3A_32 : vector<256xi1>, vector<256xf32>
    %select_n3A_86 = arith.select %lt3A, %add3A_84, %add3A_41 : vector<256xi1>, vector<256xi32>
    %broadcast_in_dim3A_87 = vector.shape_cast %select_n3A_85 : vector<256xf32> to vector<256x1xf32>
    %sub3A_88 = vector.broadcast %broadcast_in_dim3A_87 : vector<256x1xf32> to vector<256x2048xf32>
    %sub3A_89 = arith.subf %sub3A_71, %sub3A_88 : vector<256x2048xf32>
    %mul3A_90 = arith.constant -144.269501 : f32
    %mul3A_91 = vector.broadcast %mul3A_90 : f32 to vector<256x2048xf32>
    %mul3A_92 = arith.mulf %sub3A_89, %mul3A_91 : vector<256x2048xf32>
    %exp23A_93 = math.exp2 %mul3A_92 : vector<256x2048xf32>
    %convert_element_type3A_94 = arith.truncf %exp23A_93 : vector<256x2048xf32> to vector<256x2048xbf16>
    %swap3A_95 = arith.constant 0 : index
    %swap3A_96 = arith.constant 2048 : index
    %swap3A_97 = vector.load %arg11[%swap3A_95, %swap3A_96] : memref<256x8192xbf16, #tpu.memory_space<vmem>>, vector<256x2048xbf16>
    tpu.vector_store %arg11[%swap3A_95, %swap3A_96], %convert_element_type3A_94 {strides = array<i32>} : memref<256x8192xbf16, #tpu.memory_space<vmem>>, vector<256x2048xbf16>,
    %dot_general3A_98 = arith.constant dense<0.000000e+00> : vector<256x1xf32>
    %dot_general3A_99 = tpu.matmul %exp23A_93, %broadcast_in_dim3A_18, %dot_general3A_98 {dimension_numbers = #tpu.dot_dimension_numbers<[1], [0], [0], [1], [0, 0, 1, 1], [], []>, transpose_lhs_hint = false} : vector<256x2048xf32>, vector<2048x1xf32>, vector<256x1xf32> -> vector<256x1xf32>
    %squeeze3A_100 = vector.shape_cast %dot_general3A_99 : vector<256x1xf32> to vector<256xf32>
    %mul3A_101 = arith.mulf %exp23A_93, %sub3A_71 : vector<256x2048xf32>
    %reduce_sum3A_102 = arith.constant dense<0.000000e+00> : vector<256xf32>
    %reduce_sum3A_103 = vector.multi_reduction <add>, %mul3A_101, %reduce_sum3A_102 [1] : vector<256x2048xf32> to vector<256xf32>
    %sub3A_104 = arith.subf %select_n3A_85, %reduce_min3A_32 : vector<256xf32>
    %mul3A_105 = arith.constant 1.000000e+02 : f32
    %mul3A_106 = vector.broadcast %mul3A_105 : f32 to vector<256xf32>
    %mul3A_107 = arith.mulf %sub3A_104, %mul3A_106 : vector<256xf32>
    %exp3A = math.exp %mul3A_107 : vector<256xf32>
    %mul3A_108 = arith.mulf %squeeze3A, %exp3A : vector<256xf32>
    %add3A_109 = arith.addf %mul3A_108, %squeeze3A_100 : vector<256xf32>
    %mul3A_110 = arith.mulf %reduce_sum3A_56, %exp3A : vector<256xf32>
    %add3A_111 = arith.addf %mul3A_110, %reduce_sum3A_103 : vector<256xf32>
    %get3A_112 = arith.constant 4096 : index
    %get3A_113 = arith.constant 0 : index
    %get3A_114 = vector.load %arg12[%get3A_112, %get3A_113] : memref<8192x256xf32, #tpu.memory_space<vmem>>, vector<2048x256xf32>
    %dot_general3A_115 = arith.constant dense<0.000000e+00> : vector<256x2048xf32>
    %dot_general3A_116 = tpu.matmul %add3A, %get3A_114, %dot_general3A_115 {dimension_numbers = #tpu.dot_dimension_numbers<[1], [1], [0], [0], [0, 0, 1, 0], [], []>, transpose_lhs_hint = false} : vector<256x256xf32>, vector<2048x256xf32>, vector<256x2048xf32> -> vector<256x2048xf32>
    %broadcast_in_dim3A_117 = vector.shape_cast %reduce_sum3A_16 : vector<256xf32> to vector<256x1xf32>
    %get3A_118 = arith.constant 0 : index
    %get3A_119 = arith.constant 4096 : index
    %get3A_120 = vector.load %arg13[%get3A_118, %get3A_119] : memref<1x8192xf32, #tpu.memory_space<vmem>>, vector<1x2048xf32>
    %get3A_121 = vector.shape_cast %get3A_120 : vector<1x2048xf32> to vector<2048xf32>
    %broadcast_in_dim3A_122 = vector.shape_cast %get3A_121 : vector<2048xf32> to vector<1x2048xf32>
    %add3A_123 = vector.broadcast %broadcast_in_dim3A_117 : vector<256x1xf32> to vector<256x2048xf32>
    %add3A_124 = vector.broadcast %broadcast_in_dim3A_122 : vector<1x2048xf32> to vector<256x2048xf32>
    %add3A_125 = arith.addf %add3A_123, %add3A_124 : vector<256x2048xf32>
    %sub3A_126 = arith.subf %add3A_125, %dot_general3A_116 : vector<256x2048xf32>
    %reduce_min3A_127 = arith.constant dense<0x7F800000> : vector<256xf32>
    %reduce_min3A_128 = vector.multi_reduction <minimumf>, %sub3A_126, %reduce_min3A_127 [1] : vector<256x2048xf32> to vector<256xf32>
    %broadcast_in_dim3A_129 = vector.shape_cast %reduce_min3A_128 : vector<256xf32> to vector<256x1xf32>
    %eq3A_130 = vector.broadcast %broadcast_in_dim3A_129 : vector<256x1xf32> to vector<256x2048xf32>
    %eq3A_131 = arith.cmpf oeq, %sub3A_126, %eq3A_130 : vector<256x2048xf32>
    %jit3A_132 = arith.constant 1073741824 : i32
    %broadcast_in_dim3A_133 = vector.broadcast %jit3A_132 : i32 to vector<256x2048xi32>
    %select_n3A_134 = arith.select %eq3A_131, %iota3A, %broadcast_in_dim3A_133 : vector<256x2048xi1>, vector<256x2048xi32>
    %reduce_min3A_135 = arith.constant dense<2147483647> : vector<256xi32>
    %reduce_min3A_136 = vector.multi_reduction <minsi>, %select_n3A_134, %reduce_min3A_135 [1] : vector<256x2048xi32> to vector<256xi32>
    %add3A_137 = arith.constant 4096 : i32
    %add3A_138 = vector.broadcast %add3A_137 : i32 to vector<256xi32>
    %add3A_139 = arith.addi %reduce_min3A_136, %add3A_138 : vector<256xi32>
    %lt3A_140 = arith.cmpf olt, %reduce_min3A_128, %select_n3A_85 : vector<256xf32>
    %select_n3A_141 = arith.select %lt3A_140, %reduce_min3A_128, %select_n3A_85 : vector<256xi1>, vector<256xf32>
    %select_n3A_142 = arith.select %lt3A_140, %add3A_139, %select_n3A_86 : vector<256xi1>, vector<256xi32>
    %broadcast_in_dim3A_143 = vector.shape_cast %select_n3A_141 : vector<256xf32> to vector<256x1xf32>
    %sub3A_144 = vector.broadcast %broadcast_in_dim3A_143 : vector<256x1xf32> to vector<256x2048xf32>
    %sub3A_145 = arith.subf %sub3A_126, %sub3A_144 : vector<256x2048xf32>
    %mul3A_146 = arith.constant -144.269501 : f32
    %mul3A_147 = vector.broadcast %mul3A_146 : f32 to vector<256x2048xf32>
    %mul3A_148 = arith.mulf %sub3A_145, %mul3A_147 : vector<256x2048xf32>
    %exp23A_149 = math.exp2 %mul3A_148 : vector<256x2048xf32>
    %convert_element_type3A_150 = arith.truncf %exp23A_149 : vector<256x2048xf32> to vector<256x2048xbf16>
    %swap3A_151 = arith.constant 0 : index
    %swap3A_152 = arith.constant 4096 : index
    %swap3A_153 = vector.load %arg11[%swap3A_151, %swap3A_152] : memref<256x8192xbf16, #tpu.memory_space<vmem>>, vector<256x2048xbf16>
    tpu.vector_store %arg11[%swap3A_151, %swap3A_152], %convert_element_type3A_150 {strides = array<i32>} : memref<256x8192xbf16, #tpu.memory_space<vmem>>, vector<256x2048xbf16>,
    %dot_general3A_154 = arith.constant dense<0.000000e+00> : vector<256x1xf32>
    %dot_general3A_155 = tpu.matmul %exp23A_149, %broadcast_in_dim3A_18, %dot_general3A_154 {dimension_numbers = #tpu.dot_dimension_numbers<[1], [0], [0], [1], [0, 0, 1, 1], [], []>, transpose_lhs_hint = false} : vector<256x2048xf32>, vector<2048x1xf32>, vector<256x1xf32> -> vector<256x1xf32>
    %squeeze3A_156 = vector.shape_cast %dot_general3A_155 : vector<256x1xf32> to vector<256xf32>
    %mul3A_157 = arith.mulf %exp23A_149, %sub3A_126 : vector<256x2048xf32>
    %reduce_sum3A_158 = arith.constant dense<0.000000e+00> : vector<256xf32>
    %reduce_sum3A_159 = vector.multi_reduction <add>, %mul3A_157, %reduce_sum3A_158 [1] : vector<256x2048xf32> to vector<256xf32>
    %sub3A_160 = arith.subf %select_n3A_141, %select_n3A_85 : vector<256xf32>
    %mul3A_161 = arith.constant 1.000000e+02 : f32
    %mul3A_162 = vector.broadcast %mul3A_161 : f32 to vector<256xf32>
    %mul3A_163 = arith.mulf %sub3A_160, %mul3A_162 : vector<256xf32>
    %exp3A_164 = math.exp %mul3A_163 : vector<256xf32>
    %mul3A_165 = arith.mulf %add3A_109, %exp3A_164 : vector<256xf32>
    %add3A_166 = arith.addf %mul3A_165, %squeeze3A_156 : vector<256xf32>
    %mul3A_167 = arith.mulf %add3A_111, %exp3A_164 : vector<256xf32>
    %add3A_168 = arith.addf %mul3A_167, %reduce_sum3A_159 : vector<256xf32>
    %get3A_169 = arith.constant 6144 : index
    %get3A_170 = arith.constant 0 : index
    %get3A_171 = vector.load %arg12[%get3A_169, %get3A_170] : memref<8192x256xf32, #tpu.memory_space<vmem>>, vector<2048x256xf32>
    %dot_general3A_172 = arith.constant dense<0.000000e+00> : vector<256x2048xf32>
    %dot_general3A_173 = tpu.matmul %add3A, %get3A_171, %dot_general3A_172 {dimension_numbers = #tpu.dot_dimension_numbers<[1], [1], [0], [0], [0, 0, 1, 0], [], []>, transpose_lhs_hint = false} : vector<256x256xf32>, vector<2048x256xf32>, vector<256x2048xf32> -> vector<256x2048xf32>
    %broadcast_in_dim3A_174 = vector.shape_cast %reduce_sum3A_16 : vector<256xf32> to vector<256x1xf32>
    %get3A_175 = arith.constant 0 : index
    %get3A_176 = arith.constant 6144 : index
    %get3A_177 = vector.load %arg13[%get3A_175, %get3A_176] : memref<1x8192xf32, #tpu.memory_space<vmem>>, vector<1x2048xf32>
    %get3A_178 = vector.shape_cast %get3A_177 : vector<1x2048xf32> to vector<2048xf32>
    %broadcast_in_dim3A_179 = vector.shape_cast %get3A_178 : vector<2048xf32> to vector<1x2048xf32>
    %add3A_180 = vector.broadcast %broadcast_in_dim3A_174 : vector<256x1xf32> to vector<256x2048xf32>
    %add3A_181 = vector.broadcast %broadcast_in_dim3A_179 : vector<1x2048xf32> to vector<256x2048xf32>
    %add3A_182 = arith.addf %add3A_180, %add3A_181 : vector<256x2048xf32>
    %sub3A_183 = arith.subf %add3A_182, %dot_general3A_173 : vector<256x2048xf32>
    %reduce_min3A_184 = arith.constant dense<0x7F800000> : vector<256xf32>
    %reduce_min3A_185 = vector.multi_reduction <minimumf>, %sub3A_183, %reduce_min3A_184 [1] : vector<256x2048xf32> to vector<256xf32>
    %broadcast_in_dim3A_186 = vector.shape_cast %reduce_min3A_185 : vector<256xf32> to vector<256x1xf32>
    %eq3A_187 = vector.broadcast %broadcast_in_dim3A_186 : vector<256x1xf32> to vector<256x2048xf32>
    %eq3A_188 = arith.cmpf oeq, %sub3A_183, %eq3A_187 : vector<256x2048xf32>
    %jit3A_189 = arith.constant 1073741824 : i32
    %broadcast_in_dim3A_190 = vector.broadcast %jit3A_189 : i32 to vector<256x2048xi32>
    %select_n3A_191 = arith.select %eq3A_188, %iota3A, %broadcast_in_dim3A_190 : vector<256x2048xi1>, vector<256x2048xi32>
    %reduce_min3A_192 = arith.constant dense<2147483647> : vector<256xi32>
    %reduce_min3A_193 = vector.multi_reduction <minsi>, %select_n3A_191, %reduce_min3A_192 [1] : vector<256x2048xi32> to vector<256xi32>
    %add3A_194 = arith.constant 6144 : i32
    %add3A_195 = vector.broadcast %add3A_194 : i32 to vector<256xi32>
    %add3A_196 = arith.addi %reduce_min3A_193, %add3A_195 : vector<256xi32>
    %lt3A_197 = arith.cmpf olt, %reduce_min3A_185, %select_n3A_141 : vector<256xf32>
    %select_n3A_198 = arith.select %lt3A_197, %reduce_min3A_185, %select_n3A_141 : vector<256xi1>, vector<256xf32>
    %select_n3A_199 = arith.select %lt3A_197, %add3A_196, %select_n3A_142 : vector<256xi1>, vector<256xi32>
    %broadcast_in_dim3A_200 = vector.shape_cast %select_n3A_198 : vector<256xf32> to vector<256x1xf32>
    %sub3A_201 = vector.broadcast %broadcast_in_dim3A_200 : vector<256x1xf32> to vector<256x2048xf32>
    %sub3A_202 = arith.subf %sub3A_183, %sub3A_201 : vector<256x2048xf32>
    %mul3A_203 = arith.constant -144.269501 : f32
    %mul3A_204 = vector.broadcast %mul3A_203 : f32 to vector<256x2048xf32>
    %mul3A_205 = arith.mulf %sub3A_202, %mul3A_204 : vector<256x2048xf32>
    %exp23A_206 = math.exp2 %mul3A_205 : vector<256x2048xf32>
    %convert_element_type3A_207 = arith.truncf %exp23A_206 : vector<256x2048xf32> to vector<256x2048xbf16>
    %swap3A_208 = arith.constant 0 : index
    %swap3A_209 = arith.constant 6144 : index
    %swap3A_210 = vector.load %arg11[%swap3A_208, %swap3A_209] : memref<256x8192xbf16, #tpu.memory_space<vmem>>, vector<256x2048xbf16>
    tpu.vector_store %arg11[%swap3A_208, %swap3A_209], %convert_element_type3A_207 {strides = array<i32>} : memref<256x8192xbf16, #tpu.memory_space<vmem>>, vector<256x2048xbf16>,
    %dot_general3A_211 = arith.constant dense<0.000000e+00> : vector<256x1xf32>
    %dot_general3A_212 = tpu.matmul %exp23A_206, %broadcast_in_dim3A_18, %dot_general3A_211 {dimension_numbers = #tpu.dot_dimension_numbers<[1], [0], [0], [1], [0, 0, 1, 1], [], []>, transpose_lhs_hint = false} : vector<256x2048xf32>, vector<2048x1xf32>, vector<256x1xf32> -> vector<256x1xf32>
    %squeeze3A_213 = vector.shape_cast %dot_general3A_212 : vector<256x1xf32> to vector<256xf32>
    %mul3A_214 = arith.mulf %exp23A_206, %sub3A_183 : vector<256x2048xf32>
    %reduce_sum3A_215 = arith.constant dense<0.000000e+00> : vector<256xf32>
    %reduce_sum3A_216 = vector.multi_reduction <add>, %mul3A_214, %reduce_sum3A_215 [1] : vector<256x2048xf32> to vector<256xf32>
    %sub3A_217 = arith.subf %select_n3A_198, %select_n3A_141 : vector<256xf32>
    %mul3A_218 = arith.constant 1.000000e+02 : f32
    %mul3A_219 = vector.broadcast %mul3A_218 : f32 to vector<256xf32>
    %mul3A_220 = arith.mulf %sub3A_217, %mul3A_219 : vector<256xf32>
    %exp3A_221 = math.exp %mul3A_220 : vector<256xf32>
    %mul3A_222 = arith.mulf %add3A_166, %exp3A_221 : vector<256xf32>
    %add3A_223 = arith.addf %mul3A_222, %squeeze3A_213 : vector<256xf32>
    %mul3A_224 = arith.mulf %add3A_168, %exp3A_221 : vector<256xf32>
    %add3A_225 = arith.addf %mul3A_224, %reduce_sum3A_216 : vector<256xf32>
    %div3A_226 = arith.constant 1.000000e+00 : f32
    %div3A_227 = vector.broadcast %div3A_226 : f32 to vector<256xf32>
    %div3A_228 = arith.divf %div3A_227, %add3A_223 : vector<256xf32>
    %sub3A_229 = arith.subf %select_n3A_198, %reduce_min3A_32 : vector<256xf32>
    %mul3A_230 = arith.constant 1.000000e+02 : f32
    %mul3A_231 = vector.broadcast %mul3A_230 : f32 to vector<256xf32>
    %mul3A_232 = arith.mulf %sub3A_229, %mul3A_231 : vector<256xf32>
    %exp3A_233 = math.exp %mul3A_232 : vector<256xf32>
    %mul3A_234 = arith.mulf %exp3A_233, %div3A_228 : vector<256xf32>
    %convert_element_type3A_235 = arith.truncf %mul3A_234 : vector<256xf32> to vector<256xbf16>
    %broadcast_in_dim3A_236 = vector.shape_cast %convert_element_type3A_235 : vector<256xbf16> to vector<1x256xbf16>
    %get3A_237 = arith.constant 0 : index
    %get3A_238 = arith.constant 0 : index
    %get3A_239 = vector.load %arg11[%get3A_237, %get3A_238] : memref<256x8192xbf16, #tpu.memory_space<vmem>>, vector<256x2048xbf16>
    %dot_general3A_240 = arith.constant dense<0.000000e+00> : vector<1x2048xf32>
    %dot_general3A_241 = tpu.matmul %broadcast_in_dim3A_236, %get3A_239, %dot_general3A_240 {dimension_numbers = #tpu.dot_dimension_numbers<[1], [0], [0], [1], [0, 0, 1, 1], [], []>, transpose_lhs_hint = false} : vector<1x256xbf16>, vector<256x2048xbf16>, vector<1x2048xf32> -> vector<1x2048xf32>
    %get3A_242 = arith.constant 0 : index
    %get3A_243 = arith.constant 0 : index
    %get3A_244 = vector.load %arg14[%get3A_242, %get3A_243] : memref<1x8192xf32, #tpu.memory_space<vmem>>, vector<1x2048xf32>
    %get3A_245 = vector.shape_cast %get3A_244 : vector<1x2048xf32> to vector<2048xf32>
    %squeeze3A_246 = vector.shape_cast %dot_general3A_241 : vector<1x2048xf32> to vector<2048xf32>
    %add3A_247 = arith.addf %get3A_245, %squeeze3A_246 : vector<2048xf32>
    %swap3A_248 = arith.constant 0 : index
    %swap3A_249 = arith.constant 0 : index
    %swap3A_250 = vector.load %arg14[%swap3A_248, %swap3A_249] : memref<1x8192xf32, #tpu.memory_space<vmem>>, vector<1x2048xf32>
    %swap3A_251 = vector.shape_cast %swap3A_250 : vector<1x2048xf32> to vector<2048xf32>
    %swap3A_252 = vector.shape_cast %add3A_247 : vector<2048xf32> to vector<1x2048xf32>
    tpu.vector_store %arg14[%swap3A_248, %swap3A_249], %swap3A_252 {strides = array<i32>} : memref<1x8192xf32, #tpu.memory_space<vmem>>, vector<1x2048xf32>,
    %sub3A_253 = arith.subf %select_n3A_198, %select_n3A_85 : vector<256xf32>
    %mul3A_254 = arith.constant 1.000000e+02 : f32
    %mul3A_255 = vector.broadcast %mul3A_254 : f32 to vector<256xf32>
    %mul3A_256 = arith.mulf %sub3A_253, %mul3A_255 : vector<256xf32>
    %exp3A_257 = math.exp %mul3A_256 : vector<256xf32>
    %mul3A_258 = arith.mulf %exp3A_257, %div3A_228 : vector<256xf32>
    %convert_element_type3A_259 = arith.truncf %mul3A_258 : vector<256xf32> to vector<256xbf16>
    %broadcast_in_dim3A_260 = vector.shape_cast %convert_element_type3A_259 : vector<256xbf16> to vector<1x256xbf16>
    %get3A_261 = arith.constant 0 : index
    %get3A_262 = arith.constant 2048 : index
    %get3A_263 = vector.load %arg11[%get3A_261, %get3A_262] : memref<256x8192xbf16, #tpu.memory_space<vmem>>, vector<256x2048xbf16>
    %dot_general3A_264 = arith.constant dense<0.000000e+00> : vector<1x2048xf32>
    %dot_general3A_265 = tpu.matmul %broadcast_in_dim3A_260, %get3A_263, %dot_general3A_264 {dimension_numbers = #tpu.dot_dimension_numbers<[1], [0], [0], [1], [0, 0, 1, 1], [], []>, transpose_lhs_hint = false} : vector<1x256xbf16>, vector<256x2048xbf16>, vector<1x2048xf32> -> vector<1x2048xf32>
    %get3A_266 = arith.constant 0 : index
    %get3A_267 = arith.constant 2048 : index
    %get3A_268 = vector.load %arg14[%get3A_266, %get3A_267] : memref<1x8192xf32, #tpu.memory_space<vmem>>, vector<1x2048xf32>
    %get3A_269 = vector.shape_cast %get3A_268 : vector<1x2048xf32> to vector<2048xf32>
    %squeeze3A_270 = vector.shape_cast %dot_general3A_265 : vector<1x2048xf32> to vector<2048xf32>
    %add3A_271 = arith.addf %get3A_269, %squeeze3A_270 : vector<2048xf32>
    %swap3A_272 = arith.constant 0 : index
    %swap3A_273 = arith.constant 2048 : index
    %swap3A_274 = vector.load %arg14[%swap3A_272, %swap3A_273] : memref<1x8192xf32, #tpu.memory_space<vmem>>, vector<1x2048xf32>
    %swap3A_275 = vector.shape_cast %swap3A_274 : vector<1x2048xf32> to vector<2048xf32>
    %swap3A_276 = vector.shape_cast %add3A_271 : vector<2048xf32> to vector<1x2048xf32>
    tpu.vector_store %arg14[%swap3A_272, %swap3A_273], %swap3A_276 {strides = array<i32>} : memref<1x8192xf32, #tpu.memory_space<vmem>>, vector<1x2048xf32>,
    %sub3A_277 = arith.subf %select_n3A_198, %select_n3A_141 : vector<256xf32>
    %mul3A_278 = arith.constant 1.000000e+02 : f32
    %mul3A_279 = vector.broadcast %mul3A_278 : f32 to vector<256xf32>
    %mul3A_280 = arith.mulf %sub3A_277, %mul3A_279 : vector<256xf32>
    %exp3A_281 = math.exp %mul3A_280 : vector<256xf32>
    %mul3A_282 = arith.mulf %exp3A_281, %div3A_228 : vector<256xf32>
    %convert_element_type3A_283 = arith.truncf %mul3A_282 : vector<256xf32> to vector<256xbf16>
    %broadcast_in_dim3A_284 = vector.shape_cast %convert_element_type3A_283 : vector<256xbf16> to vector<1x256xbf16>
    %get3A_285 = arith.constant 0 : index
    %get3A_286 = arith.constant 4096 : index
    %get3A_287 = vector.load %arg11[%get3A_285, %get3A_286] : memref<256x8192xbf16, #tpu.memory_space<vmem>>, vector<256x2048xbf16>
    %dot_general3A_288 = arith.constant dense<0.000000e+00> : vector<1x2048xf32>
    %dot_general3A_289 = tpu.matmul %broadcast_in_dim3A_284, %get3A_287, %dot_general3A_288 {dimension_numbers = #tpu.dot_dimension_numbers<[1], [0], [0], [1], [0, 0, 1, 1], [], []>, transpose_lhs_hint = false} : vector<1x256xbf16>, vector<256x2048xbf16>, vector<1x2048xf32> -> vector<1x2048xf32>
    %get3A_290 = arith.constant 0 : index
    %get3A_291 = arith.constant 4096 : index
    %get3A_292 = vector.load %arg14[%get3A_290, %get3A_291] : memref<1x8192xf32, #tpu.memory_space<vmem>>, vector<1x2048xf32>
    %get3A_293 = vector.shape_cast %get3A_292 : vector<1x2048xf32> to vector<2048xf32>
    %squeeze3A_294 = vector.shape_cast %dot_general3A_289 : vector<1x2048xf32> to vector<2048xf32>
    %add3A_295 = arith.addf %get3A_293, %squeeze3A_294 : vector<2048xf32>
    %swap3A_296 = arith.constant 0 : index
    %swap3A_297 = arith.constant 4096 : index
    %swap3A_298 = vector.load %arg14[%swap3A_296, %swap3A_297] : memref<1x8192xf32, #tpu.memory_space<vmem>>, vector<1x2048xf32>
    %swap3A_299 = vector.shape_cast %swap3A_298 : vector<1x2048xf32> to vector<2048xf32>
    %swap3A_300 = vector.shape_cast %add3A_295 : vector<2048xf32> to vector<1x2048xf32>
    tpu.vector_store %arg14[%swap3A_296, %swap3A_297], %swap3A_300 {strides = array<i32>} : memref<1x8192xf32, #tpu.memory_space<vmem>>, vector<1x2048xf32>,
    %sub3A_301 = arith.subf %select_n3A_198, %select_n3A_198 : vector<256xf32>
    %mul3A_302 = arith.constant 1.000000e+02 : f32
    %mul3A_303 = vector.broadcast %mul3A_302 : f32 to vector<256xf32>
    %mul3A_304 = arith.mulf %sub3A_301, %mul3A_303 : vector<256xf32>
    %exp3A_305 = math.exp %mul3A_304 : vector<256xf32>
    %mul3A_306 = arith.mulf %exp3A_305, %div3A_228 : vector<256xf32>
    %convert_element_type3A_307 = arith.truncf %mul3A_306 : vector<256xf32> to vector<256xbf16>
    %broadcast_in_dim3A_308 = vector.shape_cast %convert_element_type3A_307 : vector<256xbf16> to vector<1x256xbf16>
    %get3A_309 = arith.constant 0 : index
    %get3A_310 = arith.constant 6144 : index
    %get3A_311 = vector.load %arg11[%get3A_309, %get3A_310] : memref<256x8192xbf16, #tpu.memory_space<vmem>>, vector<256x2048xbf16>
    %dot_general3A_312 = arith.constant dense<0.000000e+00> : vector<1x2048xf32>
    %dot_general3A_313 = tpu.matmul %broadcast_in_dim3A_308, %get3A_311, %dot_general3A_312 {dimension_numbers = #tpu.dot_dimension_numbers<[1], [0], [0], [1], [0, 0, 1, 1], [], []>, transpose_lhs_hint = false} : vector<1x256xbf16>, vector<256x2048xbf16>, vector<1x2048xf32> -> vector<1x2048xf32>
    %get3A_314 = arith.constant 0 : index
    %get3A_315 = arith.constant 6144 : index
    %get3A_316 = vector.load %arg14[%get3A_314, %get3A_315] : memref<1x8192xf32, #tpu.memory_space<vmem>>, vector<1x2048xf32>
    %get3A_317 = vector.shape_cast %get3A_316 : vector<1x2048xf32> to vector<2048xf32>
    %squeeze3A_318 = vector.shape_cast %dot_general3A_313 : vector<1x2048xf32> to vector<2048xf32>
    %add3A_319 = arith.addf %get3A_317, %squeeze3A_318 : vector<2048xf32>
    %swap3A_320 = arith.constant 0 : index
    %swap3A_321 = arith.constant 6144 : index
    %swap3A_322 = vector.load %arg14[%swap3A_320, %swap3A_321] : memref<1x8192xf32, #tpu.memory_space<vmem>>, vector<1x2048xf32>
    %swap3A_323 = vector.shape_cast %swap3A_322 : vector<1x2048xf32> to vector<2048xf32>
    %swap3A_324 = vector.shape_cast %add3A_319 : vector<2048xf32> to vector<1x2048xf32>
    tpu.vector_store %arg14[%swap3A_320, %swap3A_321], %swap3A_324 {strides = array<i32>} : memref<1x8192xf32, #tpu.memory_space<vmem>>, vector<1x2048xf32>,
    %div3A_325 = arith.divf %add3A_225, %add3A_223 : vector<256xf32>
    %sub3A_326 = arith.subf %div3A_325, %select_n3A_198 : vector<256xf32>
    %mul3A_327 = arith.constant -1.000000e+02 : f32
    %mul3A_328 = vector.broadcast %mul3A_327 : f32 to vector<256xf32>
    %mul3A_329 = arith.mulf %sub3A_326, %mul3A_328 : vector<256xf32>
    %log3A = math.log %add3A_223 : vector<256xf32>
    %sub3A_330 = arith.subf %mul3A_329, %log3A : vector<256xf32>
    %get3A_331 = arith.constant 0 : index
    %get3A_332 = memref.load %arg17[%get3A_331] : memref<4xf32, #tpu.memory_space<smem>>
    %reduce_sum3A_333 = vector.shape_cast %sub3A_330 : vector<256xf32> to vector<1x256xf32>
    %reduce_sum3A_334 = arith.constant dense<0.000000e+00> : vector<1xf32>
    %reduce_sum3A_335 = vector.multi_reduction <add>, %reduce_sum3A_333, %reduce_sum3A_334 [1] : vector<1x256xf32> to vector<1xf32>
    %reduce_sum3A_336 = vector.shape_cast %reduce_sum3A_335 : vector<1xf32> to vector<1x1xf32>
    %reduce_sum3A_337 = vector.extract %reduce_sum3A_336[0, 0] : f32 from vector<1x1xf32>
    %add3A_338 = arith.addf %get3A_332, %reduce_sum3A_337 : f32
    %swap3A_339 = arith.constant 0 : index
    %swap3A_340 = memref.load %arg17[%swap3A_339] : memref<4xf32, #tpu.memory_space<smem>>
    memref.store %add3A_338, %arg17[%swap3A_339] : memref<4xf32, #tpu.memory_space<smem>>
    %iota3A_341 = tpu.iota {dimensions = array<i32: 1>} : vector<1x256xi32>
    %squeeze3A_342 = vector.shape_cast %iota3A_341 : vector<1x256xi32> to vector<256xi32>
    %jit3A_343 = arith.constant 32 : i32
    %eq3A_344 = arith.constant 0 : i32
    %eq3A_345 = arith.cmpi eq, %jit3A_343, %eq3A_344 : i32
    %jit3A_346 = arith.constant 1 : i32
    %select_n3A_347 = arith.select %eq3A_345, %jit3A_346, %jit3A_343 : i32
    %rem3A = vector.broadcast %select_n3A_347 : i32 to vector<256xi32>
    %rem3A_348 = arith.remsi %squeeze3A_342, %rem3A : vector<256xi32>
    %ne3A = arith.constant 0 : i32
    %ne3A_349 = vector.broadcast %ne3A : i32 to vector<256xi32>
    %ne3A_350 = arith.cmpi ne, %rem3A_348, %ne3A_349 : vector<256xi32>
    %lt3A_351 = arith.constant 0 : i32
    %lt3A_352 = vector.broadcast %lt3A_351 : i32 to vector<256xi32>
    %lt3A_353 = arith.cmpi slt, %rem3A_348, %lt3A_352 : vector<256xi32>
    %lt3A_354 = arith.constant 0 : i32
    %lt3A_355 = arith.cmpi slt, %select_n3A_347, %lt3A_354 : i32
    %ne3A_356 = vector.broadcast %lt3A_355 : i1 to vector<256xi1>
    %ne3A_357 = vector.broadcast %ne3A_356 : vector<256xi1> to vector<256xi1>
    %ne3A_358 = arith.xori %lt3A_353, %ne3A_357 : vector<256xi1>
    %and3A_359 = arith.andi %ne3A_358, %ne3A_350 : vector<256xi1>
    %add3A_360 = vector.broadcast %select_n3A_347 : i32 to vector<256xi32>
    %add3A_361 = arith.addi %rem3A_348, %add3A_360 : vector<256xi32>
    %select_n3A_362 = arith.select %and3A_359, %add3A_361, %rem3A_348 : vector<256xi1>, vector<256xi32>
    %get3A_363 = arith.index_cast %arg1 : i32 to index
    %get3A_364 = memref.load %arg2[%get3A_363] : memref<4xi32, #tpu.memory_space<smem>>
    %le3A = vector.broadcast %get3A_364 : i32 to vector<256xi32>
    %le3A_365 = arith.cmpi sle, %select_n3A_362, %le3A : vector<256xi32>
    %convert_element_type3A_366 = arith.extui %le3A_365 : vector<256xi1> to vector<256xi32>
    %convert_element_type3A_367 = arith.sitofp %convert_element_type3A_366 : vector<256xi32> to vector<256xf32>
    %get3A_368 = arith.constant 1 : index
    %get3A_369 = memref.load %arg17[%get3A_368] : memref<4xf32, #tpu.memory_space<smem>>
    %mul3A_370 = arith.mulf %select_n3A_198, %convert_element_type3A_367 : vector<256xf32>
    %reduce_sum3A_371 = vector.shape_cast %mul3A_370 : vector<256xf32> to vector<1x256xf32>
    %reduce_sum3A_372 = arith.constant dense<0.000000e+00> : vector<1xf32>
    %reduce_sum3A_373 = vector.multi_reduction <add>, %reduce_sum3A_371, %reduce_sum3A_372 [1] : vector<1x256xf32> to vector<1xf32>
    %reduce_sum3A_374 = vector.shape_cast %reduce_sum3A_373 : vector<1xf32> to vector<1x1xf32>
    %reduce_sum3A_375 = vector.extract %reduce_sum3A_374[0, 0] : f32 from vector<1x1xf32>
    %add3A_376 = arith.addf %get3A_369, %reduce_sum3A_375 : f32
    %swap3A_377 = arith.constant 1 : index
    %swap3A_378 = memref.load %arg17[%swap3A_377] : memref<4xf32, #tpu.memory_space<smem>>
    memref.store %add3A_376, %arg17[%swap3A_377] : memref<4xf32, #tpu.memory_space<smem>>
    %get3A_379 = arith.constant 2 : index
    %get3A_380 = memref.load %arg17[%get3A_379] : memref<4xf32, #tpu.memory_space<smem>>
    %reduce_sum3A_381 = vector.shape_cast %convert_element_type3A_367 : vector<256xf32> to vector<1x256xf32>
    %reduce_sum3A_382 = arith.constant dense<0.000000e+00> : vector<1xf32>
    %reduce_sum3A_383 = vector.multi_reduction <add>, %reduce_sum3A_381, %reduce_sum3A_382 [1] : vector<1x256xf32> to vector<1xf32>
    %reduce_sum3A_384 = vector.shape_cast %reduce_sum3A_383 : vector<1xf32> to vector<1x1xf32>
    %reduce_sum3A_385 = vector.extract %reduce_sum3A_384[0, 0] : f32 from vector<1x1xf32>
    %add3A_386 = arith.addf %get3A_380, %reduce_sum3A_385 : f32
    %swap3A_387 = arith.constant 2 : index
    %swap3A_388 = memref.load %arg17[%swap3A_387] : memref<4xf32, #tpu.memory_space<smem>>
    memref.store %add3A_386, %arg17[%swap3A_387] : memref<4xf32, #tpu.memory_space<smem>>
    %swap3A_389 = arith.constant 0 : index
    %swap3A_390 = arith.constant 0 : index
    %swap3A_391 = arith.constant 0 : index
    %swap3A_392 = vector.load %arg6[%swap3A_389, %swap3A_390, %swap3A_391] : memref<1x1x256xi32, #tpu.memory_space<vmem>>, vector<1x1x256xi32>
    %swap3A_393 = vector.shape_cast %swap3A_392 : vector<1x1x256xi32> to vector<256xi32>
    %swap3A_394 = vector.shape_cast %select_n3A_199 : vector<256xi32> to vector<1x1x256xi32>
    tpu.vector_store %arg6[%swap3A_389, %swap3A_390, %swap3A_391], %swap3A_394 {strides = array<i32>} : memref<1x1x256xi32, #tpu.memory_space<vmem>>, vector<1x1x256xi32>,
    %eq3A_395 = arith.constant 0 : i32
    %eq3A_396 = arith.cmpi eq, %arg1, %eq3A_395 : i32
    %convert_element_type3A_397 = arith.extui %eq3A_396 : i1 to i32
    %cond3A_398 = arith.constant 0 : i32
    %cond3A_399 = arith.cmpi ne, %convert_element_type3A_397, %cond3A_398 : i32
    scf.if %cond3A_399 {
      %swap3A_417 = arith.constant 0 : index
      %swap3A_418 = arith.constant 0 : index
      %swap3A_419 = vector.load %arg15[%swap3A_417, %swap3A_418] : memref<1x256xi32, #tpu.memory_space<vmem>>, vector<1x256xi32>
      %swap3A_420 = vector.shape_cast %swap3A_419 : vector<1x256xi32> to vector<256xi32>
      %swap3A_421 = vector.shape_cast %select_n3A_199 : vector<256xi32> to vector<1x256xi32>
      tpu.vector_store %arg15[%swap3A_417, %swap3A_418], %swap3A_421 {strides = array<i32>} : memref<1x256xi32, #tpu.memory_space<vmem>>, vector<1x256xi32>,
      %broadcast_in_dim3A_422 = arith.constant 1 : i32
      %broadcast_in_dim3A_423 = vector.broadcast %broadcast_in_dim3A_422 : i32 to vector<256xi32>
      %swap3A_424 = arith.constant 0 : index
      %swap3A_425 = arith.constant 0 : index
      %swap3A_426 = vector.load %arg16[%swap3A_424, %swap3A_425] : memref<1x256xi32, #tpu.memory_space<vmem>>, vector<1x256xi32>
      %swap3A_427 = vector.shape_cast %swap3A_426 : vector<1x256xi32> to vector<256xi32>
      %swap3A_428 = vector.shape_cast %broadcast_in_dim3A_423 : vector<256xi32> to vector<1x256xi32>
      tpu.vector_store %arg16[%swap3A_424, %swap3A_425], %swap3A_428 {strides = array<i32>} : memref<1x256xi32, #tpu.memory_space<vmem>>, vector<1x256xi32>,
    } else {
    }
    %gt3A = arith.constant 0 : i32
    %gt3A_400 = arith.cmpi sgt, %arg1, %gt3A : i32
    %convert_element_type3A_401 = arith.extui %gt3A_400 : i1 to i32
    %cond3A_402 = arith.constant 0 : i32
    %cond3A_403 = arith.cmpi ne, %convert_element_type3A_401, %cond3A_402 : i32
    scf.if %cond3A_403 {
      %get3A_417 = arith.constant 0 : index
      %get3A_418 = arith.constant 0 : index
      %get3A_419 = vector.load %arg16[%get3A_417, %get3A_418] : memref<1x256xi32, #tpu.memory_space<vmem>>, vector<1x256xi32>
      %get3A_420 = vector.shape_cast %get3A_419 : vector<1x256xi32> to vector<256xi32>
      %get3A_421 = arith.constant 0 : index
      %get3A_422 = arith.constant 0 : index
      %get3A_423 = vector.load %arg15[%get3A_421, %get3A_422] : memref<1x256xi32, #tpu.memory_space<vmem>>, vector<1x256xi32>
      %get3A_424 = vector.shape_cast %get3A_423 : vector<1x256xi32> to vector<256xi32>
      %eq3A_425 = arith.cmpi eq, %select_n3A_199, %get3A_424 : vector<256xi32>
      %convert_element_type3A_426 = arith.extui %eq3A_425 : vector<256xi1> to vector<256xi32>
      %and3A_427 = arith.andi %get3A_420, %convert_element_type3A_426 : vector<256xi32>
      %swap3A_428 = arith.constant 0 : index
      %swap3A_429 = arith.constant 0 : index
      %swap3A_430 = vector.load %arg16[%swap3A_428, %swap3A_429] : memref<1x256xi32, #tpu.memory_space<vmem>>, vector<1x256xi32>
      %swap3A_431 = vector.shape_cast %swap3A_430 : vector<1x256xi32> to vector<256xi32>
      %swap3A_432 = vector.shape_cast %and3A_427 : vector<256xi32> to vector<1x256xi32>
      tpu.vector_store %arg16[%swap3A_428, %swap3A_429], %swap3A_432 {strides = array<i32>} : memref<1x256xi32, #tpu.memory_space<vmem>>, vector<1x256xi32>,
    } else {
    }
    %eq3A_404 = arith.constant 3 : i32
    %eq3A_405 = arith.cmpi eq, %arg1, %eq3A_404 : i32
    %convert_element_type3A_406 = arith.extui %eq3A_405 : i1 to i32
    %cond3A_407 = arith.constant 0 : i32
    %cond3A_408 = arith.cmpi ne, %convert_element_type3A_406, %cond3A_407 : i32
    scf.if %cond3A_408 {
      %get3A_417 = arith.constant 3 : index
      %get3A_418 = memref.load %arg17[%get3A_417] : memref<4xf32, #tpu.memory_space<smem>>
      %get3A_419 = arith.constant 0 : index
      %get3A_420 = arith.constant 0 : index
      %get3A_421 = vector.load %arg16[%get3A_419, %get3A_420] : memref<1x256xi32, #tpu.memory_space<vmem>>, vector<1x256xi32>
      %get3A_422 = vector.shape_cast %get3A_421 : vector<1x256xi32> to vector<256xi32>
      %convert_element_type3A_423 = arith.sitofp %get3A_422 : vector<256xi32> to vector<256xf32>
      %reduce_sum3A_424 = vector.shape_cast %convert_element_type3A_423 : vector<256xf32> to vector<1x256xf32>
      %reduce_sum3A_425 = arith.constant dense<0.000000e+00> : vector<1xf32>
      %reduce_sum3A_426 = vector.multi_reduction <add>, %reduce_sum3A_424, %reduce_sum3A_425 [1] : vector<1x256xf32> to vector<1xf32>
      %reduce_sum3A_427 = vector.shape_cast %reduce_sum3A_426 : vector<1xf32> to vector<1x1xf32>
      %reduce_sum3A_428 = vector.extract %reduce_sum3A_427[0, 0] : f32 from vector<1x1xf32>
      %add3A_429 = arith.addf %get3A_418, %reduce_sum3A_428 : f32
      %swap3A_430 = arith.constant 3 : index
      %swap3A_431 = memref.load %arg17[%swap3A_430] : memref<4xf32, #tpu.memory_space<smem>>
      memref.store %add3A_429, %arg17[%swap3A_430] : memref<4xf32, #tpu.memory_space<smem>>
    } else {
    }
    %eq3A_409 = arith.constant 3 : i32
    %eq3A_410 = arith.cmpi eq, %arg0, %eq3A_409 : i32
    %eq3A_411 = arith.constant 3 : i32
    %eq3A_412 = arith.cmpi eq, %arg1, %eq3A_411 : i32
    %and3A_413 = arith.andi %eq3A_410, %eq3A_412 : i1
    %convert_element_type3A_414 = arith.extui %and3A_413 : i1 to i32
    %cond3A_415 = arith.constant 0 : i32
    %cond3A_416 = arith.cmpi ne, %convert_element_type3A_414, %cond3A_415 : i32
    scf.if %cond3A_416 {
      %get3A_417 = arith.constant 0 : index
      %get3A_418 = arith.constant 0 : index
      %get3A_419 = vector.load %arg14[%get3A_417, %get3A_418] : memref<1x8192xf32, #tpu.memory_space<vmem>>, vector<1x8192xf32>
      %get3A_420 = vector.shape_cast %get3A_419 : vector<1x8192xf32> to vector<8192xf32>
      %div3A_421 = arith.constant 4.096000e+03 : f32
      %div3A_422 = vector.broadcast %div3A_421 : f32 to vector<8192xf32>
      %div3A_423 = arith.divf %get3A_420, %div3A_422 : vector<8192xf32>
      %add3A_424 = arith.constant 9.99999974E-6 : f32
      %add3A_425 = vector.broadcast %add3A_424 : f32 to vector<8192xf32>
      %add3A_426 = arith.addf %div3A_423, %add3A_425 : vector<8192xf32>
      %log3A_427 = math.log %add3A_426 : vector<8192xf32>
      %mul3A_428 = arith.mulf %div3A_423, %log3A_427 : vector<8192xf32>
      %reduce_sum3A_429 = vector.shape_cast %mul3A_428 : vector<8192xf32> to vector<1x8192xf32>
      %reduce_sum3A_430 = arith.constant dense<0.000000e+00> : vector<1xf32>
      %reduce_sum3A_431 = vector.multi_reduction <add>, %reduce_sum3A_429, %reduce_sum3A_430 [1] : vector<1x8192xf32> to vector<1xf32>
      %reduce_sum3A_432 = vector.shape_cast %reduce_sum3A_431 : vector<1xf32> to vector<1x1xf32>
      %reduce_sum3A_433 = vector.extract %reduce_sum3A_432[0, 0] : f32 from vector<1x1xf32>
      %neg3A = arith.constant 0.000000e+00 : f32
      %neg3A_434 = arith.subf %neg3A, %reduce_sum3A_433 : f32
      %get3A_435 = arith.constant 0 : index
      %get3A_436 = memref.load %arg17[%get3A_435] : memref<4xf32, #tpu.memory_space<smem>>
      %div3A_437 = arith.constant 4.096000e+03 : f32
      %div3A_438 = arith.divf %get3A_436, %div3A_437 : f32
      %neg3A_439 = arith.constant 0.000000e+00 : f32
      %neg3A_440 = arith.subf %neg3A_439, %div3A_438 : f32
      %sub3A_441 = arith.subf %neg3A_440, %neg3A_434 : f32
      %mul3A_442 = arith.constant 1.000000e-01 : f32
      %mul3A_443 = arith.mulf %mul3A_442, %sub3A_441 : f32
      %swap3A_444 = arith.constant 0 : index
      %swap3A_445 = arith.constant 0 : index
      %swap3A_446 = memref.load %arg9[%swap3A_444, %swap3A_445] : memref<1x1xf32, #tpu.memory_space<smem>>
      memref.store %mul3A_443, %arg9[%swap3A_444, %swap3A_445] : memref<1x1xf32, #tpu.memory_space<smem>>
      %get3A_447 = arith.constant 1 : index
      %get3A_448 = memref.load %arg17[%get3A_447] : memref<4xf32, #tpu.memory_space<smem>>
      %div3A_449 = arith.constant 2.560000e+02 : f32
      %div3A_450 = arith.divf %get3A_448, %div3A_449 : f32
      %get3A_451 = arith.constant 2 : index
      %get3A_452 = memref.load %arg17[%get3A_451] : memref<4xf32, #tpu.memory_space<smem>>
      %div3A_453 = arith.constant 3.200000e+01 : f32
      %div3A_454 = arith.divf %get3A_452, %div3A_453 : f32
      %div3A_455 = arith.divf %div3A_450, %div3A_454 : f32
      %swap3A_456 = arith.constant 0 : index
      %swap3A_457 = arith.constant 0 : index
      %swap3A_458 = memref.load %arg7[%swap3A_456, %swap3A_457] : memref<1x1xf32, #tpu.memory_space<smem>>
      memref.store %div3A_455, %arg7[%swap3A_456, %swap3A_457] : memref<1x1xf32, #tpu.memory_space<smem>>
      %mul3A_459 = arith.constant 2.500000e-01 : f32
      %mul3A_460 = arith.mulf %mul3A_459, %div3A_455 : f32
      %swap3A_461 = arith.constant 0 : index
      %swap3A_462 = arith.constant 0 : index
      %swap3A_463 = memref.load %arg8[%swap3A_461, %swap3A_462] : memref<1x1xf32, #tpu.memory_space<smem>>
      memref.store %mul3A_460, %arg8[%swap3A_461, %swap3A_462] : memref<1x1xf32, #tpu.memory_space<smem>>
      %get3A_464 = arith.constant 3 : index
      %get3A_465 = memref.load %arg17[%get3A_464] : memref<4xf32, #tpu.memory_space<smem>>
      %div3A_466 = arith.constant 1.024000e+03 : f32
      %div3A_467 = arith.divf %get3A_465, %div3A_466 : f32
      %swap3A_468 = arith.constant 0 : index
      %swap3A_469 = arith.constant 0 : index
      %swap3A_470 = memref.load %arg10[%swap3A_468, %swap3A_469] : memref<1x1xf32, #tpu.memory_space<smem>>
      memref.store %div3A_467, %arg10[%swap3A_468, %swap3A_469] : memref<1x1xf32, #tpu.memory_space<smem>>
    } else {
    }
    return
  }
  func.func @transform_0(%arg0: i32, %arg1: i32, %arg2: memref<4xi32, #tpu.memory_space<smem>>) -> (i32, i32, i32) {
    %c0_i32 = arith.constant 0 : i32
    %c0_i32_0 = arith.constant 0 : i32
    return %arg1, %c0_i32, %arg0 : i32, i32, i32
  }
  func.func @transform_1(%arg0: i32, %arg1: i32, %arg2: memref<4xi32, #tpu.memory_space<smem>>) -> (i32, i32) {
    %c0_i32 = arith.constant 0 : i32
    %c0_i32_0 = arith.constant 0 : i32
    %c0_i32_1 = arith.constant 0 : i32
    return %c0_i32, %c0_i32_0 : i32, i32
  }
  func.func @transform_2(%arg0: i32, %arg1: i32, %arg2: memref<4xi32, #tpu.memory_space<smem>>) -> (i32, i32) {
    %mul3A = arith.constant 4 : i32
    %mul3A_0 = arith.muli %arg1, %mul3A : i32
    %add3A = arith.addi %mul3A_0, %arg0 : i32
    %c0_i32 = arith.constant 0 : i32
    %c0_i32_1 = arith.constant 0 : i32
    return %add3A, %c0_i32 : i32, i32
  }
  func.func @transform_3(%arg0: i32, %arg1: i32, %arg2: memref<4xi32, #tpu.memory_space<smem>>) -> (i32, i32, i32) {
    %mul3A = arith.constant 4 : i32
    %mul3A_0 = arith.muli %arg1, %mul3A : i32
    %add3A = arith.addi %mul3A_0, %arg0 : i32
    %c0_i32 = arith.constant 0 : i32
    %c0_i32_1 = arith.constant 0 : i32
    %c0_i32_2 = arith.constant 0 : i32
    return %add3A, %c0_i32, %c0_i32_1 : i32, i32, i32
  }
  func.func @transform_4(%arg0: i32, %arg1: i32, %arg2: memref<4xi32, #tpu.memory_space<smem>>) -> (i32, i32) {
    %c0_i32 = arith.constant 0 : i32
    %c0_i32_0 = arith.constant 0 : i32
    %c0_i32_1 = arith.constant 0 : i32
    return %c0_i32, %c0_i32_0 : i32, i32
  }
  func.func @transform_5(%arg0: i32, %arg1: i32, %arg2: memref<4xi32, #tpu.memory_space<smem>>) -> (i32, i32) {
    %c0_i32 = arith.constant 0 : i32
    %c0_i32_0 = arith.constant 0 : i32
    %c0_i32_1 = arith.constant 0 : i32
    return %c0_i32, %c0_i32_0 : i32, i32
  }
  func.func @transform_6(%arg0: i32, %arg1: i32, %arg2: memref<4xi32, #tpu.memory_space<smem>>) -> (i32, i32) {
    %c0_i32 = arith.constant 0 : i32
    %c0_i32_0 = arith.constant 0 : i32
    %c0_i32_1 = arith.constant 0 : i32
    return %c0_i32, %c0_i32_0 : i32, i32
  }
  func.func @transform_7(%arg0: i32, %arg1: i32, %arg2: memref<4xi32, #tpu.memory_space<smem>>) -> (i32, i32) {
    %c0_i32 = arith.constant 0 : i32
    %c0_i32_0 = arith.constant 0 : i32
    %c0_i32_1 = arith.constant 0 : i32
    return %c0_i32, %c0_i32_0 : i32, i32
  }
}

module attributes {stable_mosaic.version = 14 : i64} {
  func.func @_epilogue_body(%arg0: i32, %arg1: memref<1024x256xf32, #tpu.memory_space<vmem>>, %arg2: memref<1024x256xf32, #tpu.memory_space<vmem>>, %arg3: memref<1x256x1024xf32, #tpu.memory_space<vmem>>) attributes {dimension_semantics = [#tpu.dimension_semantics<arbitrary>], iteration_bounds = array<i64: 4>, scalar_prefetch = 0 : i64, scratch_operands = 0 : i64, tpu.core_type = #tpu.core_type<tc>, window_params = [{transform_indices = @transform_0, window_bounds = array<i64: 1024, 256>}, {transform_indices = @transform_1, window_bounds = array<i64: 1024, 256>}, {transform_indices = @transform_2, window_bounds = array<i64: 1, 256, 1024>}]} {
    %get3A = arith.constant 0 : index
    %get3A_0 = arith.constant 0 : index
    %get3A_1 = vector.load %arg1[%get3A, %get3A_0] : memref<1024x256xf32, #tpu.memory_space<vmem>>, vector<1024x256xf32>
    %get3A_2 = arith.constant 0 : index
    %get3A_3 = arith.constant 0 : index
    %get3A_4 = vector.load %arg2[%get3A_2, %get3A_3] : memref<1024x256xf32, #tpu.memory_space<vmem>>, vector<1024x256xf32>
    %mul3A = arith.mulf %get3A_4, %get3A_4 : vector<1024x256xf32>
    %reduce_sum3A = arith.constant dense<0.000000e+00> : vector<1024xf32>
    %reduce_sum3A_5 = vector.multi_reduction <add>, %mul3A, %reduce_sum3A [1] : vector<1024x256xf32> to vector<1024xf32>
    %broadcast_in_dim3A = vector.shape_cast %reduce_sum3A_5 : vector<1024xf32> to vector<1024x1xf32>
    %sqrt3A = math.sqrt %broadcast_in_dim3A : vector<1024x1xf32>
    %max3A = arith.constant 9.99999996E-13 : f32
    %max3A_6 = vector.broadcast %max3A : f32 to vector<1024x1xf32>
    %max3A_7 = arith.maximumf %sqrt3A, %max3A_6 : vector<1024x1xf32>
    %div3A = vector.broadcast %max3A_7 : vector<1024x1xf32> to vector<1024x256xf32>
    %div3A_8 = arith.divf %get3A_4, %div3A : vector<1024x256xf32>
    %sub3A = arith.subf %div3A_8, %get3A_1 : vector<1024x256xf32>
    %add3A = arith.addf %get3A_1, %sub3A : vector<1024x256xf32>
    %transpose3A = tpu.transpose %add3A, [1, 0] : vector<1024x256xf32> -> vector<256x1024xf32>
    %swap3A = arith.constant 0 : index
    %swap3A_9 = arith.constant 0 : index
    %swap3A_10 = arith.constant 0 : index
    %swap3A_11 = vector.load %arg3[%swap3A, %swap3A_9, %swap3A_10] : memref<1x256x1024xf32, #tpu.memory_space<vmem>>, vector<1x256x1024xf32>
    %swap3A_12 = vector.shape_cast %swap3A_11 : vector<1x256x1024xf32> to vector<256x1024xf32>
    %swap3A_13 = vector.shape_cast %transpose3A : vector<256x1024xf32> to vector<1x256x1024xf32>
    tpu.vector_store %arg3[%swap3A, %swap3A_9, %swap3A_10], %swap3A_13 {strides = array<i32>} : memref<1x256x1024xf32, #tpu.memory_space<vmem>>, vector<1x256x1024xf32>,
    return
  }
  func.func @transform_0(%arg0: i32) -> (i32, i32) {
    %c0_i32 = arith.constant 0 : i32
    %c0_i32_0 = arith.constant 0 : i32
    return %arg0, %c0_i32 : i32, i32
  }
  func.func @transform_1(%arg0: i32) -> (i32, i32) {
    %c0_i32 = arith.constant 0 : i32
    %c0_i32_0 = arith.constant 0 : i32
    return %arg0, %c0_i32 : i32, i32
  }
  func.func @transform_2(%arg0: i32) -> (i32, i32, i32) {
    %c0_i32 = arith.constant 0 : i32
    %c0_i32_0 = arith.constant 0 : i32
    %c0_i32_1 = arith.constant 0 : i32
    return %arg0, %c0_i32, %c0_i32_0 : i32, i32, i32
  }
}

</mosaic_0001>

<sc_bundles>
// kernel: kernel.5.cloned.1.call-start
scs
__scs_entry_jumppad:
0x0: {  	(pc) =	sbr.rel $0x88, $3  }
0x1: {  	(tag) =	ssettag $0x0;
	lr =	simm.s32 $0x1  }
0x2: {  	[smem:$0x3F9E] =	sst lr;
	_ =	strace $0xD0000000  }
0x3: {  	_ = 	snop  }
0x4: {  	_ = 	snop  }
0x5: {  	_ = 	snop  }
0x6: {  	_ = 	snop  }
0x7: {  	_ = 	snop  }
__scs_overlays_trampoline_lowered:
0x8: {  	[smem:$0x3FAD] =	sst s0  }
0x9: {  	[smem:$0x3FAE] =	sst s1  }
0xa: {  	[smem:$0x3FAF] =	sst s2  }
0xb: {  	[smem:$0x3FB0] =	sst s3  }
0xc: {  	[smem:$0x3FB1] =	sst s4  }
0xd: {  	[smem:$0x3FB2] =	sst s5  }
0xe: {  	[smem:$0x3FB3] =	sst s6  }
0xf: {  	[smem:$0x3FB4] =	sst s7  }
0x10: {  	[smem:$0x3FB5] =	sst s8  }
0x11: {  	[smem:$0x3FB6] =	sst s9;
	s0 =	simm.s32 @!p0 $0x0  }
0x12: {  	s1 =	sld [smem:$0x3F9C];
	s0 =	simm.s32 @p0 $0x1  }
0x13: {  	[smem:$0x3FB7] =	sst s0;
	s0 =	simm.s32 @!p1 $0x0  }
0x14: {  	s2 =	sld [smem:$0x3F9B];
	s0 =	simm.s32 @p1 $0x1  }
0x15: {  	[smem:$0x3FB8] =	sst s0;
	s0 =	simm.s32 @!p2 $0x0  }
0x16: {  	s3 =	sld [smem:$0x3FDB];
	s0 =	simm.s32 @p2 $0x1  }
0x17: {  	s4 =	simm.s32 $0x1BF5;
	[smem:$0x3FBA] =	sst s0  }
0x18: {  	s0 =	sld [smem:$0x3F9D];
	_ =	swait.ge [sflag:s4], $0x0  }
0x19: {  	s7 =	sld [smem:$0x3F9E]  }
0x1a: {  	s8 =	sadd.s32 $0xFFFFE003, lr  }
0x1b: {  	s9 =	sadd.s32 $0xFFFFFEF7, lr;
	s5 =	simm.s32 $0xFFFFFFFF;
	p2 =	slt.u32 s8, $0xFFFFF086  }
0x1c: {  	p1 =	slt.u32 s9, $0xF7A;
	s5 =	simm.s32 @!p2 $0x0  }
0x1d: {  	s5 =	simm.s32 @p1 $0x1;
	p0 =	seq.s32 s7, s2  }
0x1e: {  	s7 =	smul.u32 @!p0 $0xF7A, s2;
	p2 =	seq.s32 @!p0 s5, $0x0  }
0x1f: {  	s9 =	smul.u32 $0xF7A, s1;
	s8 =	simm.s32 @!p0 $0x1BF5;
	p2 =	por !p2, p0  }
0x20: {  	[sflag:s8] =	ssyncset.s32 @!p0 $0xFFFFF086;
	s6 =	sadd.s32 @!p0 s3, s7;
	s7 =	simm.s32 @!p0 $0x108  }
0x21: {  	s3 =	sadd.s32 s3, s9;
	s6 =	sadd.s32 @!p0 $0x88, s6;
	s7 =	simm.s32 @p2 $0x1082  }
0x22: {  	[simem:s7], [sflag:s8] =	dma.local @!p0 [hbm:s6], $0xF7A  }
0x23: {  	s9 =	sor.u32 $0xD0000000, s2;
	s6 =	simm.s32 $0x108;
	_ =	swait.ge @!p0 [sflag:s8], $0x0  }
0x24: {  	s3 =	sadd.s32 $0x88, s3;
	s6 =	simm.s32 @!p1 $0x1082;
	[sflag:s4] =	ssyncset.s32 $0xFFFFF086  }
0x25: {  	[simem:s6], [sflag:s4] =	dma.local [hbm:s3], $0xF7A  }
0x26: {  	[smem:$0x3F9E] =	sst s1;
	(tag) =	ssettag s2;
	_ =	strace s9  }
0x27: {  	s1 =	sld [smem:$0x3FAE]  }
0x28: {  	s2 =	sld [smem:$0x3FAF]  }
0x29: {  	s4 =	sld [smem:$0x3FB1]  }
0x2a: {  	p0 =	seq.s32 s5, $0x0;
	s5 =	sld [smem:$0x3FB2]  }
0x2b: {  	s6 =	sld [smem:$0x3FB3]  }
0x2c: {  	s7 =	sld [smem:$0x3FB4]  }
0x2d: {  	s3 =	simm.s32 $0x108;
	s8 =	sld [smem:$0x3FB5]  }
0x2e: {  	s3 =	simm.s32 @!p0 $0x1082;
	s9 =	sld [smem:$0x3FB6]  }
0x2f: {  	lr =	sadd.s32 s0, s3;
	s0 =	sld [smem:$0x3FAD]  }
0x30: {  	s3 =	sld [smem:$0x3FB0]  }
0x31: {  	[smem:$0x3FB9] =	sst s10  }
0x32: {  	s10 =	sld [smem:$0x3FB7];
	_ =	sdelay $0x3  }
0x33: {  	p0 =	seq.s32 s10, $0x1;
	s10 =	sld [smem:$0x3FB9];
	_ =	sdelay $0x3  }
0x34: {  	[smem:$0x3FB9] =	sst s10  }
0x35: {  	s10 =	sld [smem:$0x3FB8];
	_ =	sdelay $0x3  }
0x36: {  	p1 =	seq.s32 s10, $0x1;
	s10 =	sld [smem:$0x3FB9];
	_ =	sdelay $0x3  }
0x37: {  	[smem:$0x3FB9] =	sst s10  }
0x38: {  	s10 =	sld [smem:$0x3FBA]  }
0x39: {  	_ = 	snop;
	(pc) =	sbr.ind lr, $3  }
0x3a: {  	_ = 	snop  }
0x3b: {  	_ = 	snop  }
0x3c: {  	p2 =	seq.s32 s10, $0x1;
	s10 =	sld [smem:$0x3FB9]  }
0x3d: {  	_ =	shalt  }
0x3e: {  	_ =	shalt  }
0x3f: {  	_ =	shalt  }
0x40: {  	_ =	shalt  }
0x41: {  	_ =	shalt  }
0x42: {  	_ =	shalt  }
0x43: {  	_ =	shalt  }
0x44: {  	_ =	shalt  }
0x45: {  	_ =	shalt  }
0x46: {  	_ =	shalt  }
0x47: {  	_ =	shalt  }
0x48: {  	_ =	shalt  }
0x49: {  	_ =	shalt  }
0x4a: {  	_ =	shalt  }
0x4b: {  	_ =	shalt  }
0x4c: {  	_ =	shalt  }
0x4d: {  	_ =	shalt  }
0x4e: {  	_ =	shalt  }
0x4f: {  	_ =	shalt  }
0x50: {  	_ =	shalt  }
0x51: {  	_ =	shalt  }
0x52: {  	_ =	shalt  }
0x53: {  	_ =	shalt  }
0x54: {  	_ =	shalt  }
0x55: {  	_ =	shalt  }
0x56: {  	_ =	shalt  }
0x57: {  	_ =	shalt  }
0x58: {  	_ =	shalt  }
0x59: {  	_ =	shalt  }
0x5a: {  	_ =	shalt  }
0x5b: {  	_ =	shalt  }
0x5c: {  	_ =	shalt  }
0x5d: {  	_ =	shalt  }
0x5e: {  	_ =	shalt  }
0x5f: {  	_ =	shalt  }
0x60: {  	_ =	shalt  }
0x61: {  	_ =	shalt  }
0x62: {  	_ =	shalt  }
0x63: {  	_ =	shalt  }
0x64: {  	_ =	shalt  }
0x65: {  	_ =	shalt  }
0x66: {  	_ =	shalt  }
0x67: {  	_ =	shalt  }
0x68: {  	_ =	shalt  }
0x69: {  	_ =	shalt  }
0x6a: {  	_ =	shalt  }
0x6b: {  	_ =	shalt  }
0x6c: {  	_ =	shalt  }
0x6d: {  	_ =	shalt  }
0x6e: {  	_ =	shalt  }
0x6f: {  	_ =	shalt  }
0x70: {  	_ =	shalt  }
0x71: {  	_ =	shalt  }
0x72: {  	_ =	shalt  }
0x73: {  	_ =	shalt  }
0x74: {  	_ =	shalt  }
0x75: {  	_ =	shalt  }
0x76: {  	_ =	shalt  }
0x77: {  	_ =	shalt  }
0x78: {  	_ =	shalt  }
0x79: {  	_ =	shalt  }
0x7a: {  	_ =	shalt  }
0x7b: {  	_ =	shalt  }
0x7c: {  	_ =	shalt  }
0x7d: {  	_ =	shalt  }
0x7e: {  	_ =	shalt  }
0x7f: {  	_ =	shalt  }
0x80: {  	_ =	shalt  }
0x81: {  	_ =	shalt  }
0x82: {  	_ =	shalt  }
0x83: {  	_ =	shalt  }
0x84: {  	_ =	shalt  }
0x85: {  	_ =	shalt  }
0x86: {  	_ =	shalt  }
0x87: {  	_ =	shalt  }
.Lfunc_end0:
.L_simem_size_0:
called_computation_lowered:
.L_overlay_start_0:
0x88: {  	s2 =	sld [smem:$0x3FD9]  }
0x89: {  	s3 =	sld [smem:$0x3FFE];
	_ =	sdelay $0x1  }
0x8a: {  	s1 =	srdreg.scid  }
0x8b: {  	s0 =	sand.u32 $0x1, s1  }
0x8c: {  	s15 =	sshll.u32 s0, $0xA;
	s2 =	sadd.s32 s3, s2  }
0x8d: {  	s2 =	sadd.s32 s2, s15  }
0x8e: {  	[smem:$0x3FC5] =	sst s2  }
0x8f: {  	_ = 	snop  }
0x90: {  	s2 =	sld [smem:$0x3FD0];
	_ =	sdelay $0x2  }
0x91: {  	s4 =	simm.s32 $0xA;
	s5 =	simm.s32 $0x10;
	s16 =	sld [smem:$0x3FC8]  }
0x92: {  	[smem:s5], [sflag:s4] =	dma.local [hbm:s2], $0x1  }
0x93: {  	_ =	swait.eq [sflag:s4], $0x1  }
0x94: {  	[sflag:s4] =	ssyncset.done $0x0  }
0x95: {  	s17 =	sld [smem:$0x10];
	[sflag:s4] =	ssyncadd.s32 $0xFFFFFFFF  }
0x96: {  	s18 =	sld [smem:$0x15];
	(tm) =	ssettm $0x1  }
0x97: {  	s19 =	sld [smem:$0x3FFB];
	_ =	sdelay $0x3  }
0x98: {  	_ =	strace s19  }
0x99: {  	s5 =	sld [smem:$0x3FFC];
	_ =	sdelay $0x3  }
0x9a: {  	_ =	strace s5  }
0x9b: {  	s5 =	sld [smem:$0x3FFD];
	_ =	sdelay $0x3  }
0x9c: {  	_ =	strace s5  }
0x9d: {  	_ =	strace $0x8FFFFFFF  }
0x9e: {  	s20 =	sld [smem:$0x3FDB];
	_ =	sdelay $0x1  }
0x9f: {  	s6 =	simm.s32 $_scs_section_size  }
0xa0: {  	s7 =	simm.s32 $_size__tile_overlayer_lowered;
	s8 =	simm.s32 $_tile_overlayer_lowered  }
0xa1: {  	s23 =	simm.s32 $0x1BFF;
	s22 =	sshll.u32 s8, $0x1;
	s5 =	sadd.s32 s6, s20  }
0xa2: {  	s9 =	simm.s32 $0x0;
	s21 =	sshll.u32 s7, $0x1;
	s7 =	sadd.s32 s22, s5  }
0xa3: {  	[timem:s9], [sflag:s23] =	dma.local [hbm:s7], s21  }
0xa4: {  	_ =	swait.ge [sflag:s23], s21  }
0xa5: {  	s6 =	ssub.s32 $0x0, s21;
	[sflag:s23] =	ssyncset.done $0x0  }
0xa6: {  	[sflag:s23] =	ssyncadd.s32 s6;
	_ =	sdelay $0x1  }
0xa7: {  	s24 =	simm.s32 $0x1B8B  }
0xa8: {  	_ =	swait.ge [sflag:s24], $0x1  }
0xa9: {  	[sflag:s24] =	ssyncset.done $0x0  }
0xaa: {  	s25 =	simm.s32 $0x1B8E;
	[sflag:s24] =	ssyncadd.s32 $0xFFFFFFFF  }
0xab: {  	s26 =	simm.s32 $execute0_lowered;
	[smem:$0x3FD2] =	sst s25  }
0xac: {  	s6 =	sshll.u32 s26, $0x1;
	_ =	strace $0x80000046;
	[dreg:$0x1] =	wrdreg $0xFFFFFFFF  }
0xad: {  	s28 =	simm.s32 $_size_execute0_lowered;
	s5 =	sadd.s32 s5, s6;
	[dreg:$0x0] =	wrdreg $0x0  }
0xae: {  	s6 =	sshll.u32 s28, $0x1;
	[dreg:$0x2] =	wrdreg s5  }
0xaf: {  	[dreg:$0x3] =	wrdreg s6  }
0xb0: {  	[dreg:$0x4] =	wrdreg $0xC0  }
0xb1: {  	_ =	task [dreg:s9], $0x5FFFF  }
0xb2: {  	[dreg:$0x1] =	wrdreg $0xFFFFFFFF  }
0xb3: {  	[dreg:$0x0] =	wrdreg $0x60  }
0xb4: {  	[dreg:$0x2] =	wrdreg s16  }
0xb5: {  	[dreg:$0x3] =	wrdreg s18  }
0xb6: {  	[dreg:$0x4] =	wrdreg s17  }
0xb7: {  	[dreg:$0x5] =	wrdreg $0x9  }
0xb8: {  	_ =	task.clear_ibuf [dreg:s9], $0x6FFFF;
	_ =	strace $0x90000046  }
0xb9: {  	s29 =	simm.s32 $0x9;
	_ =	strace $0x80000048  }
0xba: {  	_ =	swait.ge [sflag:s29], $0x1  }
0xbb: {  	[sflag:s29] =	ssyncadd.s32 $0xFFFFFFFF  }
0xbc: {  	_ =	strace $0x90000048  }
0xbd: {  	_ =	sfence  }
0xbe: {  	s30 =	sld [smem:$0x0];
	_ =	sdelay $0x2  }
0xbf: {  	s31 =	sshll.u32 s1, $0xD;
	s1 =	sshrl.u32 s1, $0x2  }
0xc0: {  	s3 =	sand.u32 $0x4000, s31;
	s1 =	sadd.s32 s1, s30  }
0xc1: {  	s0 =	sor.u32 s3, s0;
	s1 =	sshll.u32 s1, $0x11  }
0xc2: {  	s0 =	sor.u32 s1, s0  }
0xc3: {  	s0 =	sadd.s32 $0x8F2B, s0  }
0xc4: {  	[sflag:s0] =	ssyncadd.remote.s32 $0x1  }
0xc5: {  	_ =	sfence.sel $0xFFFF  }
0xc6: {  	[dreg:$0x0] =	wrdreg $0xFFFFFFFF;
	(pc) =	sbr.abs _section_cstart, $3  }
0xc7: {  	[dreg:$0x1] =	wrdreg $0xFFFFFFFF  }
0xc8: {  	_ =	task.clear_ibuf [dreg:s9], $0x2FFFF;
	_ =	strace $0x9FFFFFFF  }
0xc9: {  	(tm) =	ssettm $0x7FFFFFFF  }
tec
execute0_lowered:
.L_overlay_start_1:
0x0: {  	(tag) =	ssettag $0x1  }
0x1: {  	s1 =	rddreg [dreg:$0x0]  }
0x2: {  	s4 =	rddreg [dreg:$0x1]  }
0x3: {  	s5 =	rddreg [dreg:$0x2]  }
0x4: {  	s0 =	rddreg [dreg:$0x3];
	s3 =	simm.s32 $0x0;
	s6 =	srdreg.scid  }
0x5: {  	s2 =	stileid.u32;
	s10 =	simm.s32 $0x1080;
	s11 =	simm.s32 $0x1880  }
0x6: {  	s12 =	simm.s32 $0x2080;
	s13 =	simm.s32 $0x2880;
	s14 =	simm.s32 $0x3080  }
0x7: {  	s15 =	simm.s32 $0x3880;
	s16 =	simm.s32 $0x4080;
	s17 =	simm.s32 $0x4880  }
0x8: {  	s18 =	simm.s32 $0x5080;
	s19 =	simm.s32 $0x5880;
	s20 =	simm.s32 $0x6080  }
0x9: {  	s21 =	simm.s32 $0x6880;
	s22 =	simm.s32 $0x7080;
	s23 =	simm.s32 $0x7880  }
0xa: {  	s24 =	simm.s32 $0x1;
	[smem:$0x7FF] =	sst s3;
	s6 =	sand.u32 $0x1, s6  }
0xb: {  	s8 =	sshll.u32 s2, $0x8;
	s7 =	ssub.s32 $0x2, s6;
	s6 =	sshll.u32 s6, $0x7  }
0xc: {  	_ =	strace $0x80000047;
	s9 =	sshrl.u32 s7, $0x1;
	s6 =	sor.u32 s6, s8  }
0xd: {  	v2 =	vlaneseq.u32;
	s7 =	ssub.s32 s7, s9;
	s8 =	sshrl.u32 s6, $0x3;
	s6 =	sshll.u32 s6, $0x5  }
0xe: {  	vm0 =	vmmov $0xffff;
	v1 =	vshrl.u32 v2, $0x3;
	s9 =	simm.s32 $0x880;
	s4 =	sadd.s32 s4, s8;
	s5 =	sadd.s32 s5, s6  }
0xf: {  	v0 =	vand.u32 $0x7, v2;
	v2 =	vor.u32 $0x8, v2;
	v1 =	vmul.u32 $0x8, v1;
	s6 =	smax.u32 s7, $0x1;
	s7 =	simm.s32 $0x2;
	s8 =	simm.s32 $0x80  }
.LBB2_1:
0x10: {  	[tilespmem:s3], [sflag:$0x2] =	stream.linear.gather [hbm4b:s4+s3], $0x80, $0x38;
	[tilespmem:$0x8080] =	vst v63  }
0x11: {  	_ =	swait.ge [sflag:s7], $0x80  }
0x12: {  	[sflag:s7] =	ssyncset.done $0x0  }
0x13: {  	[sflag:s7] =	ssyncadd.s32 $0xFFFFFF80  }
0x14: {  	v3 =	vld [tilespmem:$0x0];
	_ =	sdelay $0x4  }
0x15: {  	v4 =	vshll.u32 v3, $0x1  }
0x16: {  	v3 =	vand.u32 $0x7, v3;
	v4 =	vand.u32 $0xFFFFFFF0, v4  }
0x17: {  	v3 =	vor.u32 v3, v4  }
0x18: {  	v4 =	vperm.xlane v3, v0;
	_ =	sdelay $0x1  }
0x19: {  	v3 =	vperm.xlane v3, v2;
	v4 =	vadd.s32 v1, v4;
	_ =	sdelay $0x1  }
0x1a: {  	v3 =	vadd.s32 v1, v3;
	_ =	sdelay $0x2  }
0x1b: {  	[tilespmem:s8], [sflag:$0x1] =	stream.indirect_vreg.gather [hbm4b:s1+s3], $0x80, v4, vm0, $0xb8;
	[tilespmem:$0x8080] =	vst v63  }
0x1c: {  	_ = 	snop  }
0x1d: {  	[tilespmem:s9], [sflag:$0x1] =	stream.indirect_vreg.gather [hbm4b:s1+s3], $0x80, v3, vm0, $0xb8;
	[tilespmem:$0x8080] =	vst v63  }
0x1e: {  	v3 =	vld [tilespmem:$0x10];
	_ =	sdelay $0x4  }
0x1f: {  	v57 =	vshll.u32 v3, $0x1  }
0x20: {  	v3 =	vand.u32 $0x7, v3;
	v4 =	vand.u32 $0xFFFFFFF0, v57  }
0x21: {  	v3 =	vor.u32 v3, v4  }
0x22: {  	v4 =	vperm.xlane v3, v0;
	_ =	sdelay $0x1  }
0x23: {  	v3 =	vperm.xlane v3, v2;
	v4 =	vadd.s32 v1, v4;
	_ =	sdelay $0x1  }
0x24: {  	v3 =	vadd.s32 v1, v3;
	_ =	sdelay $0x2  }
0x25: {  	[tilespmem:s10], [sflag:$0x1] =	stream.indirect_vreg.gather [hbm4b:s1+s3], $0x80, v4, vm0, $0xb8;
	[tilespmem:$0x8080] =	vst v63  }
0x26: {  	_ = 	snop  }
0x27: {  	[tilespmem:s11], [sflag:$0x1] =	stream.indirect_vreg.gather [hbm4b:s1+s3], $0x80, v3, vm0, $0xb8;
	[tilespmem:$0x8080] =	vst v63  }
0x28: {  	v3 =	vld [tilespmem:$0x20];
	_ =	sdelay $0x4  }
0x29: {  	v58 =	vshll.u32 v3, $0x1  }
0x2a: {  	v3 =	vand.u32 $0x7, v3;
	v4 =	vand.u32 $0xFFFFFFF0, v58  }
0x2b: {  	v3 =	vor.u32 v3, v4  }
0x2c: {  	v4 =	vperm.xlane v3, v0;
	_ =	sdelay $0x1  }
0x2d: {  	v3 =	vperm.xlane v3, v2;
	v4 =	vadd.s32 v1, v4;
	_ =	sdelay $0x1  }
0x2e: {  	v3 =	vadd.s32 v1, v3;
	_ =	sdelay $0x2  }
0x2f: {  	[tilespmem:s12], [sflag:$0x1] =	stream.indirect_vreg.gather [hbm4b:s1+s3], $0x80, v4, vm0, $0xb8;
	[tilespmem:$0x8080] =	vst v63  }
0x30: {  	_ = 	snop  }
0x31: {  	[tilespmem:s13], [sflag:$0x1] =	stream.indirect_vreg.gather [hbm4b:s1+s3], $0x80, v3, vm0, $0xb8;
	[tilespmem:$0x8080] =	vst v63  }
0x32: {  	v3 =	vld [tilespmem:$0x30];
	_ =	sdelay $0x4  }
0x33: {  	v59 =	vshll.u32 v3, $0x1  }
0x34: {  	v3 =	vand.u32 $0x7, v3;
	v4 =	vand.u32 $0xFFFFFFF0, v59  }
0x35: {  	v3 =	vor.u32 v3, v4  }
0x36: {  	v4 =	vperm.xlane v3, v0;
	_ =	sdelay $0x1  }
0x37: {  	v3 =	vperm.xlane v3, v2;
	v4 =	vadd.s32 v1, v4;
	_ =	sdelay $0x1  }
0x38: {  	v3 =	vadd.s32 v1, v3;
	_ =	sdelay $0x2  }
0x39: {  	[tilespmem:s14], [sflag:$0x1] =	stream.indirect_vreg.gather [hbm4b:s1+s3], $0x80, v4, vm0, $0xb8;
	[tilespmem:$0x8080] =	vst v63  }
0x3a: {  	_ = 	snop  }
0x3b: {  	[tilespmem:s15], [sflag:$0x1] =	stream.indirect_vreg.gather [hbm4b:s1+s3], $0x80, v3, vm0, $0xb8;
	[tilespmem:$0x8080] =	vst v63  }
0x3c: {  	v3 =	vld [tilespmem:$0x40];
	_ =	sdelay $0x4  }
0x3d: {  	v60 =	vshll.u32 v3, $0x1  }
0x3e: {  	v3 =	vand.u32 $0x7, v3;
	v4 =	vand.u32 $0xFFFFFFF0, v60  }
0x3f: {  	v3 =	vor.u32 v3, v4  }
0x40: {  	v4 =	vperm.xlane v3, v0;
	_ =	sdelay $0x1  }
0x41: {  	v3 =	vperm.xlane v3, v2;
	v4 =	vadd.s32 v1, v4;
	_ =	sdelay $0x1  }
0x42: {  	v3 =	vadd.s32 v1, v3;
	_ =	sdelay $0x2  }
0x43: {  	[tilespmem:s16], [sflag:$0x1] =	stream.indirect_vreg.gather [hbm4b:s1+s3], $0x80, v4, vm0, $0xb8;
	[tilespmem:$0x8080] =	vst v63  }
0x44: {  	_ = 	snop  }
0x45: {  	[tilespmem:s17], [sflag:$0x1] =	stream.indirect_vreg.gather [hbm4b:s1+s3], $0x80, v3, vm0, $0xb8;
	[tilespmem:$0x8080] =	vst v63  }
0x46: {  	v3 =	vld [tilespmem:$0x50];
	_ =	sdelay $0x4  }
0x47: {  	v61 =	vshll.u32 v3, $0x1  }
0x48: {  	v3 =	vand.u32 $0x7, v3;
	v4 =	vand.u32 $0xFFFFFFF0, v61  }
0x49: {  	v3 =	vor.u32 v3, v4  }
0x4a: {  	v4 =	vperm.xlane v3, v0;
	_ =	sdelay $0x1  }
0x4b: {  	v3 =	vperm.xlane v3, v2;
	v4 =	vadd.s32 v1, v4;
	_ =	sdelay $0x1  }
0x4c: {  	v3 =	vadd.s32 v1, v3;
	_ =	sdelay $0x2  }
0x4d: {  	[tilespmem:s18], [sflag:$0x1] =	stream.indirect_vreg.gather [hbm4b:s1+s3], $0x80, v4, vm0, $0xb8;
	[tilespmem:$0x8080] =	vst v63  }
0x4e: {  	_ = 	snop  }
0x4f: {  	[tilespmem:s19], [sflag:$0x1] =	stream.indirect_vreg.gather [hbm4b:s1+s3], $0x80, v3, vm0, $0xb8;
	[tilespmem:$0x8080] =	vst v63  }
0x50: {  	v3 =	vld [tilespmem:$0x60];
	_ =	sdelay $0x4  }
0x51: {  	v62 =	vshll.u32 v3, $0x1  }
0x52: {  	v3 =	vand.u32 $0x7, v3;
	v4 =	vand.u32 $0xFFFFFFF0, v62  }
0x53: {  	v3 =	vor.u32 v3, v4  }
0x54: {  	v4 =	vperm.xlane v3, v0;
	_ =	sdelay $0x1  }
0x55: {  	v3 =	vperm.xlane v3, v2;
	v4 =	vadd.s32 v1, v4;
	_ =	sdelay $0x1  }
0x56: {  	v3 =	vadd.s32 v1, v3;
	_ =	sdelay $0x2  }
0x57: {  	[tilespmem:s20], [sflag:$0x1] =	stream.indirect_vreg.gather [hbm4b:s1+s3], $0x80, v4, vm0, $0xb8;
	[tilespmem:$0x8080] =	vst v63  }
0x58: {  	_ = 	snop  }
0x59: {  	[tilespmem:s21], [sflag:$0x1] =	stream.indirect_vreg.gather [hbm4b:s1+s3], $0x80, v3, vm0, $0xb8;
	[tilespmem:$0x8080] =	vst v63  }
0x5a: {  	v3 =	vld [tilespmem:$0x70];
	_ =	sdelay $0x4  }
0x5b: {  	v63 =	vshll.u32 v3, $0x1  }
0x5c: {  	v3 =	vand.u32 $0x7, v3;
	v4 =	vand.u32 $0xFFFFFFF0, v63  }
0x5d: {  	v3 =	vor.u32 v3, v4  }
0x5e: {  	v4 =	vperm.xlane v3, v0;
	_ =	sdelay $0x1  }
0x5f: {  	v3 =	vperm.xlane v3, v2;
	v4 =	vadd.s32 v1, v4;
	_ =	sdelay $0x1  }
0x60: {  	v3 =	vadd.s32 v1, v3;
	_ =	sdelay $0x2  }
0x61: {  	[tilespmem:s22], [sflag:$0x1] =	stream.indirect_vreg.gather [hbm4b:s1+s3], $0x80, v4, vm0, $0xb8;
	[tilespmem:$0x8080] =	vst v63  }
0x62: {  	_ = 	snop  }
0x63: {  	[tilespmem:s23], [sflag:$0x1] =	stream.indirect_vreg.gather [hbm4b:s1+s3], $0x80, v3, vm0, $0xb8;
	[tilespmem:$0x8080] =	vst v63  }
0x64: {  	_ =	swait.ge [sflag:s24], $0x8000  }
0x65: {  	p0 =	sne.s32 s6, $0x1;
	[sflag:s24] =	ssyncset.done $0x0  }
.Ltmp0:
0x66: {  	[sflag:s24] =	ssyncadd.s32 $0xFFFF8000;
	(pc) =	sbr.rel @p0 .LBB2_1-.Ltmp0, $4  }
0x67: {  	[hbm4b:s5+s3] =	stream.linear.scatter [tilespmem:s8], [sflag:$0x2], $0x8000, $0x38;
	[tilespmem:$0x8080] =	vst v63  }
0x68: {  	_ =	swait.ge [sflag:s7], $0x8000  }
0x69: {  	[sflag:s7] =	ssyncset.done $0x0  }
0x6a: {  	s6 =	sadd.s32 $0xFFFFFFFF, s6;
	[sflag:s7] =	ssyncadd.s32 $0xFFFF8000  }
0x6b: {  	_ =	sfence.sel $0x180000  }
0x6c: {  	[bflag:$0x0] =	sbarrier.arrive $0xFFFF  }
0x6d: {  	p0 =	sne.s32 s2, $0x0;
	_ =	strace $0x90000047  }
0x6e: {  	s0 =	sadd.s32 @!p0 $0x100000, s0;
	[bflag:$0x2] =	sbarrier.arrive $0xFFFF  }
0x6f: {  	[sflag:s0] =	ssyncadd.tile.s32 @!p0 $0x1;
	_ =	shalt  }
.Lfunc_end2:
_tile_overlayer_lowered:
.L_overlay_start_2:
0x70: {  	(tag) =	ssettag $0x2  }
0x71: {  	s0 =	rddreg [dreg:$0x0];
	s2 =	stileid.u32  }
0x72: {  	s1 =	rddreg [dreg:$0x1];
	p0 =	sne.s32 s2, $0x0  }
0x73: {  	s3 =	rddreg [dreg:$0x2];
	[bflag:$0x3] =	sbarrier.arrive $0xFFFF;
	s2 =	simm.s32 @!p0 $0x1C02  }
0x74: {  	[timem:s3], [sflag:s2] =	dma.local @!p0 [hbm:s0], s1  }
0x75: {  	s0 =	simm.s32 @!p0 $0x2  }
0x76: {  	_ =	swait.ge @!p0 [sflag:s0], s1  }
0x77: {  	s1 =	ssub.s32 @!p0 $0x0, s1;
	[sflag:s0] =	ssyncset.done @!p0 $0x0  }
0x78: {  	[sflag:s0] =	ssyncadd.s32 @!p0 s1  }
0x79: {  	[bflag:$0x3] =	sbarrier.arrive $0xFFFF  }
0x7a: {  	_ =	shalt  }

</sc_bundles>
